<compile_context>
chip_gen: v7x
topology: tpu7x:2x2x1
jax: 0.10.2.dev20260603
libtpu: 0.0.44.dev20260713+nightly
codegen_flags: <defaults>
</compile_context>

<pallas_src>
import functools

import jax
import jax.numpy as jnp
from jax import lax
from jax.experimental import pallas as pl
from jax.experimental.pallas import tpu as pltpu
from jax.experimental.pallas import tpu_sc as plsc

_NC = 2
_NS = 16
_LANES = 16

_BN = 1000


def _mm_body(x_ref, w1_ref, w2_ref, b1_ref, x1_ref, x2t_ref):
    xb = x_ref[0]
    dn = (((1,), (1,)), ((), ()))
    x1_ref[0] = (
        lax.dot_general(xb, w1_ref[...], dn, preferred_element_type=jnp.float32)
        + b1_ref[...]
    )
    x2t_ref[0] = lax.dot_general(
        w2_ref[...], xb, dn, preferred_element_type=jnp.float32
    )


def _matmuls(x, W1, b1, W2, lo, nb):
    B, N, DI = x.shape
    DO = W1.shape[0]
    return pl.pallas_call(
        _mm_body,
        grid=(nb,),
        in_specs=[
            pl.BlockSpec((1, N, DI), lambda b: (b + lo, 0, 0)),
            pl.BlockSpec((DO, DI), lambda b: (0, 0)),
            pl.BlockSpec((DO, DI), lambda b: (0, 0)),
            pl.BlockSpec((1, DO), lambda b: (0, 0)),
        ],
        out_specs=[
            pl.BlockSpec((1, N, DO), lambda b: (b, 0, 0)),
            pl.BlockSpec((1, DO, N), lambda b: (b, 0, 0)),
        ],
        out_shape=[
            jax.ShapeDtypeStruct((nb, N, DO), jnp.float32),
            jax.ShapeDtypeStruct((nb, DO, N), jnp.float32),
        ],
    )(x, W1, W2, b1.reshape(1, DO))


def _add_t_body(x1a_ref, x1b_ref, rta_ref, rtb_ref, o_ref):
    half = pl.num_programs(0) // 2
    b = pl.program_id(0)

    @pl.when(b < half)
    def _():
        o_ref[0] = x1a_ref[0] + rta_ref[0].T

    @pl.when(b >= half)
    def _():
        o_ref[0] = x1b_ref[0] + rtb_ref[0].T


def _add_transposed(x1a, x1b, rta, rtb):
    H, N, DO = x1a.shape
    B = 2 * H

    def lo_map(b):
        return (jnp.minimum(b, H - 1), 0, 0)

    def hi_map(b):
        return (jnp.maximum(b - H, 0), 0, 0)

    return pl.pallas_call(
        _add_t_body,
        grid=(B,),
        in_specs=[
            pl.BlockSpec((1, N, DO), lo_map),
            pl.BlockSpec((1, N, DO), hi_map),
            pl.BlockSpec((1, DO, N), lo_map),
            pl.BlockSpec((1, DO, N), hi_map),
        ],
        out_specs=pl.BlockSpec((1, N, DO), lambda b: (b, 0, 0)),
        out_shape=jax.ShapeDtypeStruct((B, N, DO), jnp.float32),
    )(x1a, x1b, rta, rtb)


def _make_sc_scatter(B, N, DO, E, SH):
    PB = 6
    NPASS = B // PB
    EB = 2560
    n_blocks = -(-E // EB)
    ov_groups = (n_blocks * EB - E) // _LANES
    last_base = E - EB

    mesh = plsc.VectorSubcoreMesh(core_axis_name="c", subcore_axis_name="s")

    @functools.partial(
        pl.kernel,
        out_type=jax.ShapeDtypeStruct((B, DO, N), jnp.float32),
        mesh=mesh,
        compiler_params=pltpu.CompilerParams(
            use_tc_tiling_on_sc=False, needs_layout_passes=False
        ),
        scratch_types=[
            pltpu.VMEM((2, EB), jnp.int32),
            pltpu.VMEM((2, EB), jnp.float32),
            pltpu.VMEM((PB * N,), jnp.float32),
            pltpu.VMEM((PB * N,), jnp.float32),
            pltpu.SemaphoreType.DMA,
        ],
    )
    def sc_scatter(x2t_hbm, pk_hbm, vals_hbm, out_hbm,
                   pk_v, vals_v, stage, acc, sem_e):
        c = lax.axis_index("c")
        s = lax.axis_index("s")
        f = c * _NS + s

        def base_of(n):
            return jnp.minimum(n * EB, last_base)

        def fire(n, pb):
            r0 = base_of(n)
            pltpu.async_copy(pk_hbm.at[pl.ds(r0, EB)], pk_v.at[pb], sem_e)
            pltpu.async_copy(vals_hbm.at[pl.ds(r0, EB)], vals_v.at[pb], sem_e)

        def drain2():
            pltpu.make_async_copy(
                pk_hbm.at[pl.ds(0, EB)], pk_v.at[0], sem_e
            ).wait()
            pltpu.make_async_copy(
                vals_hbm.at[pl.ds(0, EB)], vals_v.at[0], sem_e
            ).wait()

        def one_pass(pp, _):
            for i in range(PB):
                pltpu.sync_copy(
                    x2t_hbm.at[pp * PB + i, f], stage.at[pl.ds(i * N, N)]
                )

            @plsc.parallel_loop(0, PB * N // _LANES, 1)
            def zbody(z):
                acc[pl.ds(z * _LANES, _LANES)] = jnp.zeros(
                    (_LANES,), jnp.float32
                )

            fire(0, 0)

            def blk(n, _):
                pb = lax.rem(n, 2)
                drain2()

                @pl.when(n + 1 < n_blocks)
                def _():
                    fire(n + 1, 1 - pb)

                g_lo = jnp.where(n == n_blocks - 1, ov_groups, 0)

                @plsc.parallel_loop(0, EB // _LANES, 1)
                def grp(g):
                    sl = pl.ds(g * _LANES, _LANES)
                    pk16 = pk_v[pb, sl]
                    rows16 = lax.shift_right_logical(pk16, SH)
                    cols16 = lax.bitwise_and(pk16, (1 << SH) - 1)
                    vals16 = vals_v[pb, sl] * jnp.where(g >= g_lo, 1.0, 0.0)
                    prods = [
                        plsc.load_gather(stage, [cols16 + i * N]) * vals16
                        for i in range(PB)
                    ]
                    for i in range(PB):
                        plsc.addupdate_scatter(
                            acc, [rows16 + i * N], prods[i]
                        )

                return 0

            lax.fori_loop(0, n_blocks, blk, 0)

            for i in range(PB):
                pltpu.sync_copy(
                    acc.at[pl.ds(i * N, N)], out_hbm.at[pp * PB + i, f]
                )
            return 0

        lax.fori_loop(0, NPASS, one_pass, 0)

    return sc_scatter


def kernel(x, W1, b1, W2, support_rows, support_cols, support_vals):
    B, N, _DI = x.shape
    DO = W1.shape[0]
    E = support_rows.shape[0]

    SH = (N - 1).bit_length()
    packed = lax.shift_left(support_rows.astype(jnp.int32), SH) | (
        support_cols.astype(jnp.int32)
    )
    vals = support_vals
    if E % _LANES:
        padn = _LANES - E % _LANES
        packed = jnp.concatenate([packed, jnp.zeros((padn,), jnp.int32)])
        vals = jnp.concatenate([vals, jnp.zeros((padn,), jnp.float32)])
        E += padn

    H = B // 2
    x1a, x2Ta = _matmuls(x, W1, b1, W2, 0, H)
    x1b, x2Tb = _matmuls(x, W1, b1, W2, H, H)
    sc = _make_sc_scatter(H, N, DO, E, SH)
    resTa = sc(x2Ta, packed, vals)
    resTb = sc(x2Tb, packed, vals)
    return _add_transposed(x1a, x1b, resTa, resTb)

# --- scband reference (transcript-rebuilt; emitter-appended) ---
"""Pipeline reference for scband-graph-convolution-44753559224578 (READ-ONLY COPY).

The authoritative reference and input builder live on the scoring server;
editing this copy changes nothing except your own understanding.
"""

import jax, jax.numpy as jnp
import numpy as np

N = 10000
E = 160000
D_IN = 256
D_OUT = 32
B = 12


def setup_inputs(seed: int = 0) -> dict:
    key = jax.random.key(seed)
    k1, k2, k3, k4, k5, k6 = jax.random.split(key, 6)
    # sparse weighted adjacency with non-zero entries on the diagonal (COO)
    src = jax.random.randint(k1, (E,), 0, N)
    dst = jax.random.randint(k2, (E,), 0, N)
    diag = jnp.arange(N, dtype=src.dtype)
    support_rows = jnp.concatenate([dst, diag]).astype(jnp.int32)
    support_cols = jnp.concatenate([src, diag]).astype(jnp.int32)
    support_vals = jax.random.uniform(k3, (E + N,), minval=0.1, maxval=1.0, dtype=jnp.float32)
    # input features
    x = jax.random.normal(k4, (B, N, D_IN), dtype=jnp.float32)
    # xavier-uniform linear weights (lin: with bias init to 0; lin2: no bias)
    lim = float(np.sqrt(6.0 / (D_IN + D_OUT)))
    W1 = jax.random.uniform(k5, (D_OUT, D_IN), minval=-lim, maxval=lim, dtype=jnp.float32)
    b1 = jnp.zeros((D_OUT,), dtype=jnp.float32)
    W2 = jax.random.uniform(k6, (D_OUT, D_IN), minval=-lim, maxval=lim, dtype=jnp.float32)
    return {"x": x, "W1": W1, "b1": b1, "W2": W2,
            "support_rows": support_rows, "support_cols": support_cols,
            "support_vals": support_vals}


def reference(x, W1, b1, W2, support_rows, support_cols, support_vals):
    # x_1 = self.lin(x)
    x1 = jnp.einsum('bnd,od->bno', x, W1) + b1
    # x_2 = self.lin2(x)
    x2 = jnp.einsum('bnd,od->bno', x, W2)
    # sparse path (sparse=True, batch_size==12): res = sparse_support @ x_2 per batch
    # (the torch code block-diagonal-expands the sparse matrix 12x; mathematically
    #  identical to applying the same sparse matmul to each batch element)
    gathered = x2[:, support_cols, :] * support_vals[None, :, None]
    res = jnp.zeros_like(x1).at[:, support_rows, :].add(gathered)
    # out = x_1 + res
    return x1 + res

if __name__ == "__main__":
    import jax
    _d = setup_inputs()
    print(jax.jit(kernel)(*tuple(_d.values())))

</pallas_src>

<mosaic_0001>
#map = affine_map<(d0, d1) -> (0, 0, 0)>
#map1 = affine_map<(d0, d1) -> (0)>
module attributes {stable_mosaic.version = 14 : i64} {
  func.func @sc_scatter(%arg0: i32, %arg1: i32, %arg2: memref<6x32x10000xf32, #tpu.memory_space<hbm>>, %arg3: memref<170000xi32, #tpu.memory_space<hbm>>, %arg4: memref<170000xf32, #tpu.memory_space<hbm>>, %arg5: memref<6x32x10000xf32, #tpu.memory_space<hbm>>, %arg6: memref<2x2560xi32, #tpu.memory_space<vmem>>, %arg7: memref<2x2560xf32, #tpu.memory_space<vmem>>, %arg8: memref<60000xf32, #tpu.memory_space<vmem>>, %arg9: memref<60000xf32, #tpu.memory_space<vmem>>, %arg10: memref<!tpu.dma_semaphore, #tpu.memory_space<semaphore_mem>>) attributes {dimension_semantics = [#tpu.dimension_semantics<core_parallel>, #tpu.dimension_semantics<subcore_parallel>], iteration_bounds = array<i64: 2, 16>, scalar_prefetch = 0 : i64, scratch_operands = 5 : i64, tpu.core_type = #tpu.core_type<sc_vector_subcore>, window_params = [{transform_indices = #map}, {transform_indices = #map1}, {transform_indices = #map1}, {transform_indices = #map}]} {
    %mul3A = arith.constant 16 : i32
    %mul3A_0 = arith.muli %arg0, %mul3A : i32
    %add3A = arith.addi %mul3A_0, %arg1 : i32
    %scan3A = arith.constant 0 : i32
    %scan3A_1 = arith.constant 0 : i32
    %mul3A_2 = arith.constant 6 : i32
    %mul3A_3 = arith.muli %scan3A_1, %mul3A_2 : i32
    %add3A_4 = arith.constant 0 : i32
    %add3A_5 = arith.addi %mul3A_3, %add3A_4 : i32
    "tpu.region"() ({
      %run_scoped3A = tpu.sem_alloc : memref<!tpu.dma_semaphore, #tpu.memory_space<semaphore_mem>>
      %dma_start3A_80 = arith.constant 0 : i32
      %dma_start3A_81 = tpu.memref_slice %arg8[%dma_start3A_80] : memref<60000xf32, #tpu.memory_space<vmem>> -> memref<10000xf32, #tpu.memory_space<vmem>>
      %dma_start3A_82 = arith.constant 0 : i32
      %dma_start3A_83 = tpu.memref_slice %arg2[%add3A_5, %add3A, %dma_start3A_82] : memref<6x32x10000xf32, #tpu.memory_space<hbm>> -> memref<1x1x10000xf32, #tpu.memory_space<hbm>>
      %dma_start3A_84 = tpu.memref_squeeze %dma_start3A_83 : memref<1x1x10000xf32, #tpu.memory_space<hbm>> -> memref<10000xf32, #tpu.memory_space<hbm>>
      %dma_start3A_85 = arith.constant 0 : i32
      %dma_start3A_86 = tpu.memref_slice %arg8[%dma_start3A_85] : memref<60000xf32, #tpu.memory_space<vmem>> -> memref<10000xf32, #tpu.memory_space<vmem>>
      %dma_start3A_87 = arith.constant 0 : i32
      %dma_start3A_88 = tpu.memref_slice %arg2[%add3A_5, %add3A, %dma_start3A_87] : memref<6x32x10000xf32, #tpu.memory_space<hbm>> -> memref<1x1x10000xf32, #tpu.memory_space<hbm>>
      %dma_start3A_89 = tpu.memref_squeeze %dma_start3A_88 : memref<1x1x10000xf32, #tpu.memory_space<hbm>> -> memref<10000xf32, #tpu.memory_space<hbm>>
      tpu.enqueue_dma source(%dma_start3A_89 : memref<10000xf32, #tpu.memory_space<hbm>>) target(%dma_start3A_86 : memref<10000xf32, #tpu.memory_space<vmem>>) target_semaphore(%run_scoped3A : memref<!tpu.dma_semaphore, #tpu.memory_space<semaphore_mem>>)
      %dma_wait3A = arith.constant 0 : i32
      %dma_wait3A_90 = tpu.memref_slice %arg8[%dma_wait3A] : memref<60000xf32, #tpu.memory_space<vmem>> -> memref<10000xf32, #tpu.memory_space<vmem>>
      %dma_wait3A_91 = arith.constant 0 : i32
      %dma_wait3A_92 = tpu.memref_slice %arg2[%add3A_5, %add3A, %dma_wait3A_91] : memref<6x32x10000xf32, #tpu.memory_space<hbm>> -> memref<1x1x10000xf32, #tpu.memory_space<hbm>>
      %dma_wait3A_93 = tpu.memref_squeeze %dma_wait3A_92 : memref<1x1x10000xf32, #tpu.memory_space<hbm>> -> memref<10000xf32, #tpu.memory_space<hbm>>
      %dma_wait3A_94 = arith.constant 0 : i32
      %dma_wait3A_95 = tpu.memref_slice %arg8[%dma_wait3A_94] : memref<60000xf32, #tpu.memory_space<vmem>> -> memref<10000xf32, #tpu.memory_space<vmem>>
      %dma_wait3A_96 = arith.constant 0 : i32
      %dma_wait3A_97 = tpu.memref_slice %arg2[%add3A_5, %add3A, %dma_wait3A_96] : memref<6x32x10000xf32, #tpu.memory_space<hbm>> -> memref<1x1x10000xf32, #tpu.memory_space<hbm>>
      %dma_wait3A_98 = tpu.memref_squeeze %dma_wait3A_97 : memref<1x1x10000xf32, #tpu.memory_space<hbm>> -> memref<10000xf32, #tpu.memory_space<hbm>>
      tpu.wait_dma2 semaphore(%run_scoped3A : memref<!tpu.dma_semaphore, #tpu.memory_space<semaphore_mem>>) src(%dma_wait3A_98 : memref<10000xf32, #tpu.memory_space<hbm>>) dst(%dma_wait3A_95 : memref<10000xf32, #tpu.memory_space<vmem>>)
      tpu.yield
    }) : () -> ()
    %mul3A_6 = arith.constant 6 : i32
    %mul3A_7 = arith.muli %scan3A_1, %mul3A_6 : i32
    %add3A_8 = arith.constant 1 : i32
    %add3A_9 = arith.addi %mul3A_7, %add3A_8 : i32
    "tpu.region"() ({
      %run_scoped3A = tpu.sem_alloc : memref<!tpu.dma_semaphore, #tpu.memory_space<semaphore_mem>>
      %dma_start3A_80 = arith.constant 10000 : i32
      %dma_start3A_81 = tpu.memref_slice %arg8[%dma_start3A_80] : memref<60000xf32, #tpu.memory_space<vmem>> -> memref<10000xf32, #tpu.memory_space<vmem>>
      %dma_start3A_82 = arith.constant 0 : i32
      %dma_start3A_83 = tpu.memref_slice %arg2[%add3A_9, %add3A, %dma_start3A_82] : memref<6x32x10000xf32, #tpu.memory_space<hbm>> -> memref<1x1x10000xf32, #tpu.memory_space<hbm>>
      %dma_start3A_84 = tpu.memref_squeeze %dma_start3A_83 : memref<1x1x10000xf32, #tpu.memory_space<hbm>> -> memref<10000xf32, #tpu.memory_space<hbm>>
      %dma_start3A_85 = arith.constant 10000 : i32
      %dma_start3A_86 = tpu.memref_slice %arg8[%dma_start3A_85] : memref<60000xf32, #tpu.memory_space<vmem>> -> memref<10000xf32, #tpu.memory_space<vmem>>
      %dma_start3A_87 = arith.constant 0 : i32
      %dma_start3A_88 = tpu.memref_slice %arg2[%add3A_9, %add3A, %dma_start3A_87] : memref<6x32x10000xf32, #tpu.memory_space<hbm>> -> memref<1x1x10000xf32, #tpu.memory_space<hbm>>
      %dma_start3A_89 = tpu.memref_squeeze %dma_start3A_88 : memref<1x1x10000xf32, #tpu.memory_space<hbm>> -> memref<10000xf32, #tpu.memory_space<hbm>>
      tpu.enqueue_dma source(%dma_start3A_89 : memref<10000xf32, #tpu.memory_space<hbm>>) target(%dma_start3A_86 : memref<10000xf32, #tpu.memory_space<vmem>>) target_semaphore(%run_scoped3A : memref<!tpu.dma_semaphore, #tpu.memory_space<semaphore_mem>>)
      %dma_wait3A = arith.constant 10000 : i32
      %dma_wait3A_90 = tpu.memref_slice %arg8[%dma_wait3A] : memref<60000xf32, #tpu.memory_space<vmem>> -> memref<10000xf32, #tpu.memory_space<vmem>>
      %dma_wait3A_91 = arith.constant 0 : i32
      %dma_wait3A_92 = tpu.memref_slice %arg2[%add3A_9, %add3A, %dma_wait3A_91] : memref<6x32x10000xf32, #tpu.memory_space<hbm>> -> memref<1x1x10000xf32, #tpu.memory_space<hbm>>
      %dma_wait3A_93 = tpu.memref_squeeze %dma_wait3A_92 : memref<1x1x10000xf32, #tpu.memory_space<hbm>> -> memref<10000xf32, #tpu.memory_space<hbm>>
      %dma_wait3A_94 = arith.constant 10000 : i32
      %dma_wait3A_95 = tpu.memref_slice %arg8[%dma_wait3A_94] : memref<60000xf32, #tpu.memory_space<vmem>> -> memref<10000xf32, #tpu.memory_space<vmem>>
      %dma_wait3A_96 = arith.constant 0 : i32
      %dma_wait3A_97 = tpu.memref_slice %arg2[%add3A_9, %add3A, %dma_wait3A_96] : memref<6x32x10000xf32, #tpu.memory_space<hbm>> -> memref<1x1x10000xf32, #tpu.memory_space<hbm>>
      %dma_wait3A_98 = tpu.memref_squeeze %dma_wait3A_97 : memref<1x1x10000xf32, #tpu.memory_space<hbm>> -> memref<10000xf32, #tpu.memory_space<hbm>>
      tpu.wait_dma2 semaphore(%run_scoped3A : memref<!tpu.dma_semaphore, #tpu.memory_space<semaphore_mem>>) src(%dma_wait3A_98 : memref<10000xf32, #tpu.memory_space<hbm>>) dst(%dma_wait3A_95 : memref<10000xf32, #tpu.memory_space<vmem>>)
      tpu.yield
    }) : () -> ()
    %mul3A_10 = arith.constant 6 : i32
    %mul3A_11 = arith.muli %scan3A_1, %mul3A_10 : i32
    %add3A_12 = arith.constant 2 : i32
    %add3A_13 = arith.addi %mul3A_11, %add3A_12 : i32
    "tpu.region"() ({
      %run_scoped3A = tpu.sem_alloc : memref<!tpu.dma_semaphore, #tpu.memory_space<semaphore_mem>>
      %dma_start3A_80 = arith.constant 20000 : i32
      %dma_start3A_81 = tpu.memref_slice %arg8[%dma_start3A_80] : memref<60000xf32, #tpu.memory_space<vmem>> -> memref<10000xf32, #tpu.memory_space<vmem>>
      %dma_start3A_82 = arith.constant 0 : i32
      %dma_start3A_83 = tpu.memref_slice %arg2[%add3A_13, %add3A, %dma_start3A_82] : memref<6x32x10000xf32, #tpu.memory_space<hbm>> -> memref<1x1x10000xf32, #tpu.memory_space<hbm>>
      %dma_start3A_84 = tpu.memref_squeeze %dma_start3A_83 : memref<1x1x10000xf32, #tpu.memory_space<hbm>> -> memref<10000xf32, #tpu.memory_space<hbm>>
      %dma_start3A_85 = arith.constant 20000 : i32
      %dma_start3A_86 = tpu.memref_slice %arg8[%dma_start3A_85] : memref<60000xf32, #tpu.memory_space<vmem>> -> memref<10000xf32, #tpu.memory_space<vmem>>
      %dma_start3A_87 = arith.constant 0 : i32
      %dma_start3A_88 = tpu.memref_slice %arg2[%add3A_13, %add3A, %dma_start3A_87] : memref<6x32x10000xf32, #tpu.memory_space<hbm>> -> memref<1x1x10000xf32, #tpu.memory_space<hbm>>
      %dma_start3A_89 = tpu.memref_squeeze %dma_start3A_88 : memref<1x1x10000xf32, #tpu.memory_space<hbm>> -> memref<10000xf32, #tpu.memory_space<hbm>>
      tpu.enqueue_dma source(%dma_start3A_89 : memref<10000xf32, #tpu.memory_space<hbm>>) target(%dma_start3A_86 : memref<10000xf32, #tpu.memory_space<vmem>>) target_semaphore(%run_scoped3A : memref<!tpu.dma_semaphore, #tpu.memory_space<semaphore_mem>>)
      %dma_wait3A = arith.constant 20000 : i32
      %dma_wait3A_90 = tpu.memref_slice %arg8[%dma_wait3A] : memref<60000xf32, #tpu.memory_space<vmem>> -> memref<10000xf32, #tpu.memory_space<vmem>>
      %dma_wait3A_91 = arith.constant 0 : i32
      %dma_wait3A_92 = tpu.memref_slice %arg2[%add3A_13, %add3A, %dma_wait3A_91] : memref<6x32x10000xf32, #tpu.memory_space<hbm>> -> memref<1x1x10000xf32, #tpu.memory_space<hbm>>
      %dma_wait3A_93 = tpu.memref_squeeze %dma_wait3A_92 : memref<1x1x10000xf32, #tpu.memory_space<hbm>> -> memref<10000xf32, #tpu.memory_space<hbm>>
      %dma_wait3A_94 = arith.constant 20000 : i32
      %dma_wait3A_95 = tpu.memref_slice %arg8[%dma_wait3A_94] : memref<60000xf32, #tpu.memory_space<vmem>> -> memref<10000xf32, #tpu.memory_space<vmem>>
      %dma_wait3A_96 = arith.constant 0 : i32
      %dma_wait3A_97 = tpu.memref_slice %arg2[%add3A_13, %add3A, %dma_wait3A_96] : memref<6x32x10000xf32, #tpu.memory_space<hbm>> -> memref<1x1x10000xf32, #tpu.memory_space<hbm>>
      %dma_wait3A_98 = tpu.memref_squeeze %dma_wait3A_97 : memref<1x1x10000xf32, #tpu.memory_space<hbm>> -> memref<10000xf32, #tpu.memory_space<hbm>>
      tpu.wait_dma2 semaphore(%run_scoped3A : memref<!tpu.dma_semaphore, #tpu.memory_space<semaphore_mem>>) src(%dma_wait3A_98 : memref<10000xf32, #tpu.memory_space<hbm>>) dst(%dma_wait3A_95 : memref<10000xf32, #tpu.memory_space<vmem>>)
      tpu.yield
    }) : () -> ()
    %mul3A_14 = arith.constant 6 : i32
    %mul3A_15 = arith.muli %scan3A_1, %mul3A_14 : i32
    %add3A_16 = arith.constant 3 : i32
    %add3A_17 = arith.addi %mul3A_15, %add3A_16 : i32
    "tpu.region"() ({
      %run_scoped3A = tpu.sem_alloc : memref<!tpu.dma_semaphore, #tpu.memory_space<semaphore_mem>>
      %dma_start3A_80 = arith.constant 30000 : i32
      %dma_start3A_81 = tpu.memref_slice %arg8[%dma_start3A_80] : memref<60000xf32, #tpu.memory_space<vmem>> -> memref<10000xf32, #tpu.memory_space<vmem>>
      %dma_start3A_82 = arith.constant 0 : i32
      %dma_start3A_83 = tpu.memref_slice %arg2[%add3A_17, %add3A, %dma_start3A_82] : memref<6x32x10000xf32, #tpu.memory_space<hbm>> -> memref<1x1x10000xf32, #tpu.memory_space<hbm>>
      %dma_start3A_84 = tpu.memref_squeeze %dma_start3A_83 : memref<1x1x10000xf32, #tpu.memory_space<hbm>> -> memref<10000xf32, #tpu.memory_space<hbm>>
      %dma_start3A_85 = arith.constant 30000 : i32
      %dma_start3A_86 = tpu.memref_slice %arg8[%dma_start3A_85] : memref<60000xf32, #tpu.memory_space<vmem>> -> memref<10000xf32, #tpu.memory_space<vmem>>
      %dma_start3A_87 = arith.constant 0 : i32
      %dma_start3A_88 = tpu.memref_slice %arg2[%add3A_17, %add3A, %dma_start3A_87] : memref<6x32x10000xf32, #tpu.memory_space<hbm>> -> memref<1x1x10000xf32, #tpu.memory_space<hbm>>
      %dma_start3A_89 = tpu.memref_squeeze %dma_start3A_88 : memref<1x1x10000xf32, #tpu.memory_space<hbm>> -> memref<10000xf32, #tpu.memory_space<hbm>>
      tpu.enqueue_dma source(%dma_start3A_89 : memref<10000xf32, #tpu.memory_space<hbm>>) target(%dma_start3A_86 : memref<10000xf32, #tpu.memory_space<vmem>>) target_semaphore(%run_scoped3A : memref<!tpu.dma_semaphore, #tpu.memory_space<semaphore_mem>>)
      %dma_wait3A = arith.constant 30000 : i32
      %dma_wait3A_90 = tpu.memref_slice %arg8[%dma_wait3A] : memref<60000xf32, #tpu.memory_space<vmem>> -> memref<10000xf32, #tpu.memory_space<vmem>>
      %dma_wait3A_91 = arith.constant 0 : i32
      %dma_wait3A_92 = tpu.memref_slice %arg2[%add3A_17, %add3A, %dma_wait3A_91] : memref<6x32x10000xf32, #tpu.memory_space<hbm>> -> memref<1x1x10000xf32, #tpu.memory_space<hbm>>
      %dma_wait3A_93 = tpu.memref_squeeze %dma_wait3A_92 : memref<1x1x10000xf32, #tpu.memory_space<hbm>> -> memref<10000xf32, #tpu.memory_space<hbm>>
      %dma_wait3A_94 = arith.constant 30000 : i32
      %dma_wait3A_95 = tpu.memref_slice %arg8[%dma_wait3A_94] : memref<60000xf32, #tpu.memory_space<vmem>> -> memref<10000xf32, #tpu.memory_space<vmem>>
      %dma_wait3A_96 = arith.constant 0 : i32
      %dma_wait3A_97 = tpu.memref_slice %arg2[%add3A_17, %add3A, %dma_wait3A_96] : memref<6x32x10000xf32, #tpu.memory_space<hbm>> -> memref<1x1x10000xf32, #tpu.memory_space<hbm>>
      %dma_wait3A_98 = tpu.memref_squeeze %dma_wait3A_97 : memref<1x1x10000xf32, #tpu.memory_space<hbm>> -> memref<10000xf32, #tpu.memory_space<hbm>>
      tpu.wait_dma2 semaphore(%run_scoped3A : memref<!tpu.dma_semaphore, #tpu.memory_space<semaphore_mem>>) src(%dma_wait3A_98 : memref<10000xf32, #tpu.memory_space<hbm>>) dst(%dma_wait3A_95 : memref<10000xf32, #tpu.memory_space<vmem>>)
      tpu.yield
    }) : () -> ()
    %mul3A_18 = arith.constant 6 : i32
    %mul3A_19 = arith.muli %scan3A_1, %mul3A_18 : i32
    %add3A_20 = arith.constant 4 : i32
    %add3A_21 = arith.addi %mul3A_19, %add3A_20 : i32
    "tpu.region"() ({
      %run_scoped3A = tpu.sem_alloc : memref<!tpu.dma_semaphore, #tpu.memory_space<semaphore_mem>>
      %dma_start3A_80 = arith.constant 40000 : i32
      %dma_start3A_81 = tpu.memref_slice %arg8[%dma_start3A_80] : memref<60000xf32, #tpu.memory_space<vmem>> -> memref<10000xf32, #tpu.memory_space<vmem>>
      %dma_start3A_82 = arith.constant 0 : i32
      %dma_start3A_83 = tpu.memref_slice %arg2[%add3A_21, %add3A, %dma_start3A_82] : memref<6x32x10000xf32, #tpu.memory_space<hbm>> -> memref<1x1x10000xf32, #tpu.memory_space<hbm>>
      %dma_start3A_84 = tpu.memref_squeeze %dma_start3A_83 : memref<1x1x10000xf32, #tpu.memory_space<hbm>> -> memref<10000xf32, #tpu.memory_space<hbm>>
      %dma_start3A_85 = arith.constant 40000 : i32
      %dma_start3A_86 = tpu.memref_slice %arg8[%dma_start3A_85] : memref<60000xf32, #tpu.memory_space<vmem>> -> memref<10000xf32, #tpu.memory_space<vmem>>
      %dma_start3A_87 = arith.constant 0 : i32
      %dma_start3A_88 = tpu.memref_slice %arg2[%add3A_21, %add3A, %dma_start3A_87] : memref<6x32x10000xf32, #tpu.memory_space<hbm>> -> memref<1x1x10000xf32, #tpu.memory_space<hbm>>
      %dma_start3A_89 = tpu.memref_squeeze %dma_start3A_88 : memref<1x1x10000xf32, #tpu.memory_space<hbm>> -> memref<10000xf32, #tpu.memory_space<hbm>>
      tpu.enqueue_dma source(%dma_start3A_89 : memref<10000xf32, #tpu.memory_space<hbm>>) target(%dma_start3A_86 : memref<10000xf32, #tpu.memory_space<vmem>>) target_semaphore(%run_scoped3A : memref<!tpu.dma_semaphore, #tpu.memory_space<semaphore_mem>>)
      %dma_wait3A = arith.constant 40000 : i32
      %dma_wait3A_90 = tpu.memref_slice %arg8[%dma_wait3A] : memref<60000xf32, #tpu.memory_space<vmem>> -> memref<10000xf32, #tpu.memory_space<vmem>>
      %dma_wait3A_91 = arith.constant 0 : i32
      %dma_wait3A_92 = tpu.memref_slice %arg2[%add3A_21, %add3A, %dma_wait3A_91] : memref<6x32x10000xf32, #tpu.memory_space<hbm>> -> memref<1x1x10000xf32, #tpu.memory_space<hbm>>
      %dma_wait3A_93 = tpu.memref_squeeze %dma_wait3A_92 : memref<1x1x10000xf32, #tpu.memory_space<hbm>> -> memref<10000xf32, #tpu.memory_space<hbm>>
      %dma_wait3A_94 = arith.constant 40000 : i32
      %dma_wait3A_95 = tpu.memref_slice %arg8[%dma_wait3A_94] : memref<60000xf32, #tpu.memory_space<vmem>> -> memref<10000xf32, #tpu.memory_space<vmem>>
      %dma_wait3A_96 = arith.constant 0 : i32
      %dma_wait3A_97 = tpu.memref_slice %arg2[%add3A_21, %add3A, %dma_wait3A_96] : memref<6x32x10000xf32, #tpu.memory_space<hbm>> -> memref<1x1x10000xf32, #tpu.memory_space<hbm>>
      %dma_wait3A_98 = tpu.memref_squeeze %dma_wait3A_97 : memref<1x1x10000xf32, #tpu.memory_space<hbm>> -> memref<10000xf32, #tpu.memory_space<hbm>>
      tpu.wait_dma2 semaphore(%run_scoped3A : memref<!tpu.dma_semaphore, #tpu.memory_space<semaphore_mem>>) src(%dma_wait3A_98 : memref<10000xf32, #tpu.memory_space<hbm>>) dst(%dma_wait3A_95 : memref<10000xf32, #tpu.memory_space<vmem>>)
      tpu.yield
    }) : () -> ()
    %mul3A_22 = arith.constant 6 : i32
    %mul3A_23 = arith.muli %scan3A_1, %mul3A_22 : i32
    %add3A_24 = arith.constant 5 : i32
    %add3A_25 = arith.addi %mul3A_23, %add3A_24 : i32
    "tpu.region"() ({
      %run_scoped3A = tpu.sem_alloc : memref<!tpu.dma_semaphore, #tpu.memory_space<semaphore_mem>>
      %dma_start3A_80 = arith.constant 50000 : i32
      %dma_start3A_81 = tpu.memref_slice %arg8[%dma_start3A_80] : memref<60000xf32, #tpu.memory_space<vmem>> -> memref<10000xf32, #tpu.memory_space<vmem>>
      %dma_start3A_82 = arith.constant 0 : i32
      %dma_start3A_83 = tpu.memref_slice %arg2[%add3A_25, %add3A, %dma_start3A_82] : memref<6x32x10000xf32, #tpu.memory_space<hbm>> -> memref<1x1x10000xf32, #tpu.memory_space<hbm>>
      %dma_start3A_84 = tpu.memref_squeeze %dma_start3A_83 : memref<1x1x10000xf32, #tpu.memory_space<hbm>> -> memref<10000xf32, #tpu.memory_space<hbm>>
      %dma_start3A_85 = arith.constant 50000 : i32
      %dma_start3A_86 = tpu.memref_slice %arg8[%dma_start3A_85] : memref<60000xf32, #tpu.memory_space<vmem>> -> memref<10000xf32, #tpu.memory_space<vmem>>
      %dma_start3A_87 = arith.constant 0 : i32
      %dma_start3A_88 = tpu.memref_slice %arg2[%add3A_25, %add3A, %dma_start3A_87] : memref<6x32x10000xf32, #tpu.memory_space<hbm>> -> memref<1x1x10000xf32, #tpu.memory_space<hbm>>
      %dma_start3A_89 = tpu.memref_squeeze %dma_start3A_88 : memref<1x1x10000xf32, #tpu.memory_space<hbm>> -> memref<10000xf32, #tpu.memory_space<hbm>>
      tpu.enqueue_dma source(%dma_start3A_89 : memref<10000xf32, #tpu.memory_space<hbm>>) target(%dma_start3A_86 : memref<10000xf32, #tpu.memory_space<vmem>>) target_semaphore(%run_scoped3A : memref<!tpu.dma_semaphore, #tpu.memory_space<semaphore_mem>>)
      %dma_wait3A = arith.constant 50000 : i32
      %dma_wait3A_90 = tpu.memref_slice %arg8[%dma_wait3A] : memref<60000xf32, #tpu.memory_space<vmem>> -> memref<10000xf32, #tpu.memory_space<vmem>>
      %dma_wait3A_91 = arith.constant 0 : i32
      %dma_wait3A_92 = tpu.memref_slice %arg2[%add3A_25, %add3A, %dma_wait3A_91] : memref<6x32x10000xf32, #tpu.memory_space<hbm>> -> memref<1x1x10000xf32, #tpu.memory_space<hbm>>
      %dma_wait3A_93 = tpu.memref_squeeze %dma_wait3A_92 : memref<1x1x10000xf32, #tpu.memory_space<hbm>> -> memref<10000xf32, #tpu.memory_space<hbm>>
      %dma_wait3A_94 = arith.constant 50000 : i32
      %dma_wait3A_95 = tpu.memref_slice %arg8[%dma_wait3A_94] : memref<60000xf32, #tpu.memory_space<vmem>> -> memref<10000xf32, #tpu.memory_space<vmem>>
      %dma_wait3A_96 = arith.constant 0 : i32
      %dma_wait3A_97 = tpu.memref_slice %arg2[%add3A_25, %add3A, %dma_wait3A_96] : memref<6x32x10000xf32, #tpu.memory_space<hbm>> -> memref<1x1x10000xf32, #tpu.memory_space<hbm>>
      %dma_wait3A_98 = tpu.memref_squeeze %dma_wait3A_97 : memref<1x1x10000xf32, #tpu.memory_space<hbm>> -> memref<10000xf32, #tpu.memory_space<hbm>>
      tpu.wait_dma2 semaphore(%run_scoped3A : memref<!tpu.dma_semaphore, #tpu.memory_space<semaphore_mem>>) src(%dma_wait3A_98 : memref<10000xf32, #tpu.memory_space<hbm>>) dst(%dma_wait3A_95 : memref<10000xf32, #tpu.memory_space<vmem>>)
      tpu.yield
    }) : () -> ()
    %parallel_loop3A = arith.constant 0 : i32
    %parallel_loop3A_26 = arith.constant 3750 : i32
    %parallel_loop3A_27 = arith.constant 1 : i32
    scf.for %parallel_loop3A_80 = %parallel_loop3A to %parallel_loop3A_26 step %parallel_loop3A_27  : i32 {
      %parallel_loop3A_81 = arith.constant 0.000000e+00 : f32
      %parallel_loop3A_82 = vector.broadcast %parallel_loop3A_81 : f32 to vector<16xf32>
      %parallel_loop3A_83 = arith.constant 16 : i32
      %parallel_loop3A_84 = arith.muli %parallel_loop3A_80, %parallel_loop3A_83 : i32
      %parallel_loop3A_85 = arith.index_cast %parallel_loop3A_84 : i32 to index
      %parallel_loop3A_86 = tpu.vector_load %arg9[%parallel_loop3A_85] {strides = array<i32>} : memref<60000xf32, #tpu.memory_space<vmem>>, vector<16xf32>,
      tpu.vector_store %arg9[%parallel_loop3A_85], %parallel_loop3A_82 {strides = array<i32>} : memref<60000xf32, #tpu.memory_space<vmem>>, vector<16xf32>,
    } {sc.loop_unroll_factor = 1 : i64, sc.parallel_access}
    %min3A = arith.constant 0 : i32
    %min3A_28 = arith.constant 167440 : i32
    %min3A_29 = arith.minsi %min3A, %min3A_28 : i32
    %dma_start3A = arith.constant 0 : i32
    %dma_start3A_30 = arith.constant 0 : i32
    %dma_start3A_31 = tpu.memref_slice %arg6[%dma_start3A, %dma_start3A_30] : memref<2x2560xi32, #tpu.memory_space<vmem>> -> memref<1x2560xi32, #tpu.memory_space<vmem>>
    %dma_start3A_32 = tpu.memref_squeeze %dma_start3A_31 : memref<1x2560xi32, #tpu.memory_space<vmem>> -> memref<2560xi32, #tpu.memory_space<vmem>>
    %dma_start3A_33 = tpu.memref_slice %arg3[%min3A_29] : memref<170000xi32, #tpu.memory_space<hbm>> -> memref<2560xi32, #tpu.memory_space<hbm>>
    %dma_start3A_34 = arith.constant 0 : i32
    %dma_start3A_35 = tpu.memref_slice %arg6[%dma_start3A, %dma_start3A_34] : memref<2x2560xi32, #tpu.memory_space<vmem>> -> memref<1x2560xi32, #tpu.memory_space<vmem>>
    %dma_start3A_36 = tpu.memref_squeeze %dma_start3A_35 : memref<1x2560xi32, #tpu.memory_space<vmem>> -> memref<2560xi32, #tpu.memory_space<vmem>>
    %dma_start3A_37 = tpu.memref_slice %arg3[%min3A_29] : memref<170000xi32, #tpu.memory_space<hbm>> -> memref<2560xi32, #tpu.memory_space<hbm>>
    tpu.enqueue_dma source(%dma_start3A_37 : memref<2560xi32, #tpu.memory_space<hbm>>) target(%dma_start3A_36 : memref<2560xi32, #tpu.memory_space<vmem>>) target_semaphore(%arg10 : memref<!tpu.dma_semaphore, #tpu.memory_space<semaphore_mem>>)
    %dma_start3A_38 = arith.constant 0 : i32
    %dma_start3A_39 = arith.constant 0 : i32
    %dma_start3A_40 = tpu.memref_slice %arg7[%dma_start3A_38, %dma_start3A_39] : memref<2x2560xf32, #tpu.memory_space<vmem>> -> memref<1x2560xf32, #tpu.memory_space<vmem>>
    %dma_start3A_41 = tpu.memref_squeeze %dma_start3A_40 : memref<1x2560xf32, #tpu.memory_space<vmem>> -> memref<2560xf32, #tpu.memory_space<vmem>>
    %dma_start3A_42 = tpu.memref_slice %arg4[%min3A_29] : memref<170000xf32, #tpu.memory_space<hbm>> -> memref<2560xf32, #tpu.memory_space<hbm>>
    %dma_start3A_43 = arith.constant 0 : i32
    %dma_start3A_44 = tpu.memref_slice %arg7[%dma_start3A_38, %dma_start3A_43] : memref<2x2560xf32, #tpu.memory_space<vmem>> -> memref<1x2560xf32, #tpu.memory_space<vmem>>
    %dma_start3A_45 = tpu.memref_squeeze %dma_start3A_44 : memref<1x2560xf32, #tpu.memory_space<vmem>> -> memref<2560xf32, #tpu.memory_space<vmem>>
    %dma_start3A_46 = tpu.memref_slice %arg4[%min3A_29] : memref<170000xf32, #tpu.memory_space<hbm>> -> memref<2560xf32, #tpu.memory_space<hbm>>
    tpu.enqueue_dma source(%dma_start3A_46 : memref<2560xf32, #tpu.memory_space<hbm>>) target(%dma_start3A_45 : memref<2560xf32, #tpu.memory_space<vmem>>) target_semaphore(%arg10 : memref<!tpu.dma_semaphore, #tpu.memory_space<semaphore_mem>>)
    %scan3A_47 = arith.constant 0 : i32
    %scan3A_48 = arith.constant 0 : i32
    %scan3A_49 = arith.constant 67 : i32
    %scan3A_50 = arith.addi %scan3A_48, %scan3A_49 : i32
    %scan3A_51 = arith.constant 1 : i32
    %scan3A_52 = scf.for %scan3A_80 = %scan3A_48 to %scan3A_50 step %scan3A_51 iter_args(%scan3A_81 = %scan3A_47) -> (i32)  : i32 {
      %rem3A = arith.constant 2 : i32
      %rem3A_82 = arith.remsi %scan3A_80, %rem3A : i32
      %dma_wait3A = arith.constant 0 : i32
      %dma_wait3A_83 = arith.constant 0 : i32
      %dma_wait3A_84 = tpu.memref_slice %arg6[%dma_wait3A, %dma_wait3A_83] : memref<2x2560xi32, #tpu.memory_space<vmem>> -> memref<1x2560xi32, #tpu.memory_space<vmem>>
      %dma_wait3A_85 = tpu.memref_squeeze %dma_wait3A_84 : memref<1x2560xi32, #tpu.memory_space<vmem>> -> memref<2560xi32, #tpu.memory_space<vmem>>
      %dma_wait3A_86 = arith.constant 0 : i32
      %dma_wait3A_87 = tpu.memref_slice %arg3[%dma_wait3A_86] : memref<170000xi32, #tpu.memory_space<hbm>> -> memref<2560xi32, #tpu.memory_space<hbm>>
      %dma_wait3A_88 = arith.constant 0 : i32
      %dma_wait3A_89 = tpu.memref_slice %arg6[%dma_wait3A, %dma_wait3A_88] : memref<2x2560xi32, #tpu.memory_space<vmem>> -> memref<1x2560xi32, #tpu.memory_space<vmem>>
      %dma_wait3A_90 = tpu.memref_squeeze %dma_wait3A_89 : memref<1x2560xi32, #tpu.memory_space<vmem>> -> memref<2560xi32, #tpu.memory_space<vmem>>
      %dma_wait3A_91 = arith.constant 0 : i32
      %dma_wait3A_92 = tpu.memref_slice %arg3[%dma_wait3A_91] : memref<170000xi32, #tpu.memory_space<hbm>> -> memref<2560xi32, #tpu.memory_space<hbm>>
      tpu.wait_dma2 semaphore(%arg10 : memref<!tpu.dma_semaphore, #tpu.memory_space<semaphore_mem>>) src(%dma_wait3A_92 : memref<2560xi32, #tpu.memory_space<hbm>>) dst(%dma_wait3A_90 : memref<2560xi32, #tpu.memory_space<vmem>>)
      %dma_wait3A_93 = arith.constant 0 : i32
      %dma_wait3A_94 = arith.constant 0 : i32
      %dma_wait3A_95 = tpu.memref_slice %arg7[%dma_wait3A_93, %dma_wait3A_94] : memref<2x2560xf32, #tpu.memory_space<vmem>> -> memref<1x2560xf32, #tpu.memory_space<vmem>>
      %dma_wait3A_96 = tpu.memref_squeeze %dma_wait3A_95 : memref<1x2560xf32, #tpu.memory_space<vmem>> -> memref<2560xf32, #tpu.memory_space<vmem>>
      %dma_wait3A_97 = arith.constant 0 : i32
      %dma_wait3A_98 = tpu.memref_slice %arg4[%dma_wait3A_97] : memref<170000xf32, #tpu.memory_space<hbm>> -> memref<2560xf32, #tpu.memory_space<hbm>>
      %dma_wait3A_99 = arith.constant 0 : i32
      %dma_wait3A_100 = tpu.memref_slice %arg7[%dma_wait3A_93, %dma_wait3A_99] : memref<2x2560xf32, #tpu.memory_space<vmem>> -> memref<1x2560xf32, #tpu.memory_space<vmem>>
      %dma_wait3A_101 = tpu.memref_squeeze %dma_wait3A_100 : memref<1x2560xf32, #tpu.memory_space<vmem>> -> memref<2560xf32, #tpu.memory_space<vmem>>
      %dma_wait3A_102 = arith.constant 0 : i32
      %dma_wait3A_103 = tpu.memref_slice %arg4[%dma_wait3A_102] : memref<170000xf32, #tpu.memory_space<hbm>> -> memref<2560xf32, #tpu.memory_space<hbm>>
      tpu.wait_dma2 semaphore(%arg10 : memref<!tpu.dma_semaphore, #tpu.memory_space<semaphore_mem>>) src(%dma_wait3A_103 : memref<2560xf32, #tpu.memory_space<hbm>>) dst(%dma_wait3A_101 : memref<2560xf32, #tpu.memory_space<vmem>>)
      %add3A_104 = arith.constant 1 : i32
      %add3A_105 = arith.addi %scan3A_80, %add3A_104 : i32
      %lt3A = arith.constant 67 : i32
      %lt3A_106 = arith.cmpi slt, %add3A_105, %lt3A : i32
      %convert_element_type3A = arith.extui %lt3A_106 : i1 to i32
      %cond3A = arith.constant 0 : i32
      %cond3A_107 = arith.cmpi ne, %convert_element_type3A, %cond3A : i32
      scf.if %cond3A_107 {
        %add3A_114 = arith.constant 1 : i32
        %add3A_115 = arith.addi %scan3A_80, %add3A_114 : i32
        %sub3A = arith.constant 1 : i32
        %sub3A_116 = arith.subi %sub3A, %rem3A_82 : i32
        %mul3A_117 = arith.constant 2560 : i32
        %mul3A_118 = arith.muli %add3A_115, %mul3A_117 : i32
        %min3A_119 = arith.constant 167440 : i32
        %min3A_120 = arith.minsi %mul3A_118, %min3A_119 : i32
        %dma_start3A_121 = arith.constant 0 : i32
        %dma_start3A_122 = tpu.memref_slice %arg6[%sub3A_116, %dma_start3A_121] : memref<2x2560xi32, #tpu.memory_space<vmem>> -> memref<1x2560xi32, #tpu.memory_space<vmem>>
        %dma_start3A_123 = tpu.memref_squeeze %dma_start3A_122 : memref<1x2560xi32, #tpu.memory_space<vmem>> -> memref<2560xi32, #tpu.memory_space<vmem>>
        %dma_start3A_124 = tpu.memref_slice %arg3[%min3A_120] : memref<170000xi32, #tpu.memory_space<hbm>> -> memref<2560xi32, #tpu.memory_space<hbm>>
        %dma_start3A_125 = arith.constant 0 : i32
        %dma_start3A_126 = tpu.memref_slice %arg6[%sub3A_116, %dma_start3A_125] : memref<2x2560xi32, #tpu.memory_space<vmem>> -> memref<1x2560xi32, #tpu.memory_space<vmem>>
        %dma_start3A_127 = tpu.memref_squeeze %dma_start3A_126 : memref<1x2560xi32, #tpu.memory_space<vmem>> -> memref<2560xi32, #tpu.memory_space<vmem>>
        %dma_start3A_128 = tpu.memref_slice %arg3[%min3A_120] : memref<170000xi32, #tpu.memory_space<hbm>> -> memref<2560xi32, #tpu.memory_space<hbm>>
        tpu.enqueue_dma source(%dma_start3A_128 : memref<2560xi32, #tpu.memory_space<hbm>>) target(%dma_start3A_127 : memref<2560xi32, #tpu.memory_space<vmem>>) target_semaphore(%arg10 : memref<!tpu.dma_semaphore, #tpu.memory_space<semaphore_mem>>)
        %dma_start3A_129 = arith.constant 0 : i32
        %dma_start3A_130 = tpu.memref_slice %arg7[%sub3A_116, %dma_start3A_129] : memref<2x2560xf32, #tpu.memory_space<vmem>> -> memref<1x2560xf32, #tpu.memory_space<vmem>>
        %dma_start3A_131 = tpu.memref_squeeze %dma_start3A_130 : memref<1x2560xf32, #tpu.memory_space<vmem>> -> memref<2560xf32, #tpu.memory_space<vmem>>
        %dma_start3A_132 = tpu.memref_slice %arg4[%min3A_120] : memref<170000xf32, #tpu.memory_space<hbm>> -> memref<2560xf32, #tpu.memory_space<hbm>>
        %dma_start3A_133 = arith.constant 0 : i32
        %dma_start3A_134 = tpu.memref_slice %arg7[%sub3A_116, %dma_start3A_133] : memref<2x2560xf32, #tpu.memory_space<vmem>> -> memref<1x2560xf32, #tpu.memory_space<vmem>>
        %dma_start3A_135 = tpu.memref_squeeze %dma_start3A_134 : memref<1x2560xf32, #tpu.memory_space<vmem>> -> memref<2560xf32, #tpu.memory_space<vmem>>
        %dma_start3A_136 = tpu.memref_slice %arg4[%min3A_120] : memref<170000xf32, #tpu.memory_space<hbm>> -> memref<2560xf32, #tpu.memory_space<hbm>>
        tpu.enqueue_dma source(%dma_start3A_136 : memref<2560xf32, #tpu.memory_space<hbm>>) target(%dma_start3A_135 : memref<2560xf32, #tpu.memory_space<vmem>>) target_semaphore(%arg10 : memref<!tpu.dma_semaphore, #tpu.memory_space<semaphore_mem>>)
      } else {
      }
      %eq3A = arith.constant 66 : i32
      %eq3A_108 = arith.cmpi eq, %scan3A_80, %eq3A : i32
      %jit3A = arith.constant 95 : i32
      %jit3A_109 = arith.constant 0 : i32
      %select_n3A = arith.select %eq3A_108, %jit3A, %jit3A_109 : i32
      %parallel_loop3A_110 = arith.constant 0 : i32
      %parallel_loop3A_111 = arith.constant 160 : i32
      %parallel_loop3A_112 = arith.constant 1 : i32
      scf.for %parallel_loop3A_114 = %parallel_loop3A_110 to %parallel_loop3A_111 step %parallel_loop3A_112  : i32 {
        %parallel_loop3A_115 = arith.constant 16 : i32
        %parallel_loop3A_116 = arith.muli %parallel_loop3A_114, %parallel_loop3A_115 : i32
        %parallel_loop3A_117 = arith.index_cast %rem3A_82 : i32 to index
        %parallel_loop3A_118 = arith.index_cast %parallel_loop3A_116 : i32 to index
        %parallel_loop3A_119 = tpu.vector_load %arg6[%parallel_loop3A_117, %parallel_loop3A_118] {strides = array<i32>} : memref<2x2560xi32, #tpu.memory_space<vmem>>, vector<16xi32>,
        %parallel_loop3A_120 = arith.constant 14 : i32
        %parallel_loop3A_121 = vector.broadcast %parallel_loop3A_120 : i32 to vector<16xi32>
        %parallel_loop3A_122 = arith.shrui %parallel_loop3A_119, %parallel_loop3A_121 : vector<16xi32>
        %parallel_loop3A_123 = arith.constant 16383 : i32
        %parallel_loop3A_124 = vector.broadcast %parallel_loop3A_123 : i32 to vector<16xi32>
        %parallel_loop3A_125 = arith.andi %parallel_loop3A_119, %parallel_loop3A_124 : vector<16xi32>
        %parallel_loop3A_126 = arith.index_cast %rem3A_82 : i32 to index
        %parallel_loop3A_127 = arith.index_cast %parallel_loop3A_116 : i32 to index
        %parallel_loop3A_128 = tpu.vector_load %arg7[%parallel_loop3A_126, %parallel_loop3A_127] {strides = array<i32>} : memref<2x2560xf32, #tpu.memory_space<vmem>>, vector<16xf32>,
        %parallel_loop3A_129 = arith.cmpi sge, %parallel_loop3A_114, %select_n3A : i32
        %parallel_loop3A_130 = arith.constant 1.000000e+00 : f32
        %parallel_loop3A_131 = arith.constant 0.000000e+00 : f32
        %parallel_loop3A_132 = arith.select %parallel_loop3A_129, %parallel_loop3A_130, %parallel_loop3A_131 : f32
        %parallel_loop3A_133 = vector.broadcast %parallel_loop3A_132 : f32 to vector<16xf32>
        %parallel_loop3A_134 = arith.mulf %parallel_loop3A_128, %parallel_loop3A_133 : vector<16xf32>
        %parallel_loop3A_135 = arith.constant 0 : i32
        %parallel_loop3A_136 = vector.broadcast %parallel_loop3A_135 : i32 to vector<16xi32>
        %parallel_loop3A_137 = arith.addi %parallel_loop3A_125, %parallel_loop3A_136 : vector<16xi32>
        %parallel_loop3A_138 = tpu.vector_load_idx %arg8[%parallel_loop3A_137] : memref<60000xf32, #tpu.memory_space<vmem>>[vector<16xi32>], vector<16xf32>,
        %parallel_loop3A_139 = arith.mulf %parallel_loop3A_138, %parallel_loop3A_134 : vector<16xf32>
        %parallel_loop3A_140 = arith.constant 10000 : i32
        %parallel_loop3A_141 = vector.broadcast %parallel_loop3A_140 : i32 to vector<16xi32>
        %parallel_loop3A_142 = arith.addi %parallel_loop3A_125, %parallel_loop3A_141 : vector<16xi32>
        %parallel_loop3A_143 = tpu.vector_load_idx %arg8[%parallel_loop3A_142] : memref<60000xf32, #tpu.memory_space<vmem>>[vector<16xi32>], vector<16xf32>,
        %parallel_loop3A_144 = arith.mulf %parallel_loop3A_143, %parallel_loop3A_134 : vector<16xf32>
        %parallel_loop3A_145 = arith.constant 20000 : i32
        %parallel_loop3A_146 = vector.broadcast %parallel_loop3A_145 : i32 to vector<16xi32>
        %parallel_loop3A_147 = arith.addi %parallel_loop3A_125, %parallel_loop3A_146 : vector<16xi32>
        %parallel_loop3A_148 = tpu.vector_load_idx %arg8[%parallel_loop3A_147] : memref<60000xf32, #tpu.memory_space<vmem>>[vector<16xi32>], vector<16xf32>,
        %parallel_loop3A_149 = arith.mulf %parallel_loop3A_148, %parallel_loop3A_134 : vector<16xf32>
        %parallel_loop3A_150 = arith.constant 30000 : i32
        %parallel_loop3A_151 = vector.broadcast %parallel_loop3A_150 : i32 to vector<16xi32>
        %parallel_loop3A_152 = arith.addi %parallel_loop3A_125, %parallel_loop3A_151 : vector<16xi32>
        %parallel_loop3A_153 = tpu.vector_load_idx %arg8[%parallel_loop3A_152] : memref<60000xf32, #tpu.memory_space<vmem>>[vector<16xi32>], vector<16xf32>,
        %parallel_loop3A_154 = arith.mulf %parallel_loop3A_153, %parallel_loop3A_134 : vector<16xf32>
        %parallel_loop3A_155 = arith.constant 40000 : i32
        %parallel_loop3A_156 = vector.broadcast %parallel_loop3A_155 : i32 to vector<16xi32>
        %parallel_loop3A_157 = arith.addi %parallel_loop3A_125, %parallel_loop3A_156 : vector<16xi32>
        %parallel_loop3A_158 = tpu.vector_load_idx %arg8[%parallel_loop3A_157] : memref<60000xf32, #tpu.memory_space<vmem>>[vector<16xi32>], vector<16xf32>,
        %parallel_loop3A_159 = arith.mulf %parallel_loop3A_158, %parallel_loop3A_134 : vector<16xf32>
        %parallel_loop3A_160 = arith.constant 50000 : i32
        %parallel_loop3A_161 = vector.broadcast %parallel_loop3A_160 : i32 to vector<16xi32>
        %parallel_loop3A_162 = arith.addi %parallel_loop3A_125, %parallel_loop3A_161 : vector<16xi32>
        %parallel_loop3A_163 = tpu.vector_load_idx %arg8[%parallel_loop3A_162] : memref<60000xf32, #tpu.memory_space<vmem>>[vector<16xi32>], vector<16xf32>,
        %parallel_loop3A_164 = arith.mulf %parallel_loop3A_163, %parallel_loop3A_134 : vector<16xf32>
        %parallel_loop3A_165 = arith.constant 0 : i32
        %parallel_loop3A_166 = vector.broadcast %parallel_loop3A_165 : i32 to vector<16xi32>
        %parallel_loop3A_167 = arith.addi %parallel_loop3A_122, %parallel_loop3A_166 : vector<16xi32>
        tpu.vector_store_idx %arg9[%parallel_loop3A_167], %parallel_loop3A_139 {add = true} : memref<60000xf32, #tpu.memory_space<vmem>>[vector<16xi32>], vector<16xf32>,
        %parallel_loop3A_168 = arith.constant 10000 : i32
        %parallel_loop3A_169 = vector.broadcast %parallel_loop3A_168 : i32 to vector<16xi32>
        %parallel_loop3A_170 = arith.addi %parallel_loop3A_122, %parallel_loop3A_169 : vector<16xi32>
        tpu.vector_store_idx %arg9[%parallel_loop3A_170], %parallel_loop3A_144 {add = true} : memref<60000xf32, #tpu.memory_space<vmem>>[vector<16xi32>], vector<16xf32>,
        %parallel_loop3A_171 = arith.constant 20000 : i32
        %parallel_loop3A_172 = vector.broadcast %parallel_loop3A_171 : i32 to vector<16xi32>
        %parallel_loop3A_173 = arith.addi %parallel_loop3A_122, %parallel_loop3A_172 : vector<16xi32>
        tpu.vector_store_idx %arg9[%parallel_loop3A_173], %parallel_loop3A_149 {add = true} : memref<60000xf32, #tpu.memory_space<vmem>>[vector<16xi32>], vector<16xf32>,
        %parallel_loop3A_174 = arith.constant 30000 : i32
        %parallel_loop3A_175 = vector.broadcast %parallel_loop3A_174 : i32 to vector<16xi32>
        %parallel_loop3A_176 = arith.addi %parallel_loop3A_122, %parallel_loop3A_175 : vector<16xi32>
        tpu.vector_store_idx %arg9[%parallel_loop3A_176], %parallel_loop3A_154 {add = true} : memref<60000xf32, #tpu.memory_space<vmem>>[vector<16xi32>], vector<16xf32>,
        %parallel_loop3A_177 = arith.constant 40000 : i32
        %parallel_loop3A_178 = vector.broadcast %parallel_loop3A_177 : i32 to vector<16xi32>
        %parallel_loop3A_179 = arith.addi %parallel_loop3A_122, %parallel_loop3A_178 : vector<16xi32>
        tpu.vector_store_idx %arg9[%parallel_loop3A_179], %parallel_loop3A_159 {add = true} : memref<60000xf32, #tpu.memory_space<vmem>>[vector<16xi32>], vector<16xf32>,
        %parallel_loop3A_180 = arith.constant 50000 : i32
        %parallel_loop3A_181 = vector.broadcast %parallel_loop3A_180 : i32 to vector<16xi32>
        %parallel_loop3A_182 = arith.addi %parallel_loop3A_122, %parallel_loop3A_181 : vector<16xi32>
        tpu.vector_store_idx %arg9[%parallel_loop3A_182], %parallel_loop3A_164 {add = true} : memref<60000xf32, #tpu.memory_space<vmem>>[vector<16xi32>], vector<16xf32>,
      } {sc.loop_unroll_factor = 1 : i64, sc.parallel_access}
      %scan3A_113 = arith.constant 0 : i32
      scf.yield %scan3A_113 : i32
    }
    %scan3A_53 = arith.constant 67 : i32
    %mul3A_54 = arith.constant 6 : i32
    %mul3A_55 = arith.muli %scan3A_1, %mul3A_54 : i32
    %add3A_56 = arith.constant 0 : i32
    %add3A_57 = arith.addi %mul3A_55, %add3A_56 : i32
    "tpu.region"() ({
      %run_scoped3A = tpu.sem_alloc : memref<!tpu.dma_semaphore, #tpu.memory_space<semaphore_mem>>
      %dma_start3A_80 = arith.constant 0 : i32
      %dma_start3A_81 = tpu.memref_slice %arg9[%dma_start3A_80] : memref<60000xf32, #tpu.memory_space<vmem>> -> memref<10000xf32, #tpu.memory_space<vmem>>
      %dma_start3A_82 = arith.constant 0 : i32
      %dma_start3A_83 = tpu.memref_slice %arg5[%add3A_57, %add3A, %dma_start3A_82] : memref<6x32x10000xf32, #tpu.memory_space<hbm>> -> memref<1x1x10000xf32, #tpu.memory_space<hbm>>
      %dma_start3A_84 = tpu.memref_squeeze %dma_start3A_83 : memref<1x1x10000xf32, #tpu.memory_space<hbm>> -> memref<10000xf32, #tpu.memory_space<hbm>>
      %dma_start3A_85 = arith.constant 0 : i32
      %dma_start3A_86 = tpu.memref_slice %arg5[%add3A_57, %add3A, %dma_start3A_85] : memref<6x32x10000xf32, #tpu.memory_space<hbm>> -> memref<1x1x10000xf32, #tpu.memory_space<hbm>>
      %dma_start3A_87 = tpu.memref_squeeze %dma_start3A_86 : memref<1x1x10000xf32, #tpu.memory_space<hbm>> -> memref<10000xf32, #tpu.memory_space<hbm>>
      %dma_start3A_88 = arith.constant 0 : i32
      %dma_start3A_89 = tpu.memref_slice %arg9[%dma_start3A_88] : memref<60000xf32, #tpu.memory_space<vmem>> -> memref<10000xf32, #tpu.memory_space<vmem>>
      tpu.enqueue_dma source(%dma_start3A_89 : memref<10000xf32, #tpu.memory_space<vmem>>) target(%dma_start3A_87 : memref<10000xf32, #tpu.memory_space<hbm>>) target_semaphore(%run_scoped3A : memref<!tpu.dma_semaphore, #tpu.memory_space<semaphore_mem>>)
      %dma_wait3A = arith.constant 0 : i32
      %dma_wait3A_90 = tpu.memref_slice %arg9[%dma_wait3A] : memref<60000xf32, #tpu.memory_space<vmem>> -> memref<10000xf32, #tpu.memory_space<vmem>>
      %dma_wait3A_91 = arith.constant 0 : i32
      %dma_wait3A_92 = tpu.memref_slice %arg5[%add3A_57, %add3A, %dma_wait3A_91] : memref<6x32x10000xf32, #tpu.memory_space<hbm>> -> memref<1x1x10000xf32, #tpu.memory_space<hbm>>
      %dma_wait3A_93 = tpu.memref_squeeze %dma_wait3A_92 : memref<1x1x10000xf32, #tpu.memory_space<hbm>> -> memref<10000xf32, #tpu.memory_space<hbm>>
      %dma_wait3A_94 = arith.constant 0 : i32
      %dma_wait3A_95 = tpu.memref_slice %arg5[%add3A_57, %add3A, %dma_wait3A_94] : memref<6x32x10000xf32, #tpu.memory_space<hbm>> -> memref<1x1x10000xf32, #tpu.memory_space<hbm>>
      %dma_wait3A_96 = tpu.memref_squeeze %dma_wait3A_95 : memref<1x1x10000xf32, #tpu.memory_space<hbm>> -> memref<10000xf32, #tpu.memory_space<hbm>>
      %dma_wait3A_97 = arith.constant 0 : i32
      %dma_wait3A_98 = tpu.memref_slice %arg9[%dma_wait3A_97] : memref<60000xf32, #tpu.memory_space<vmem>> -> memref<10000xf32, #tpu.memory_space<vmem>>
      tpu.wait_dma2 semaphore(%run_scoped3A : memref<!tpu.dma_semaphore, #tpu.memory_space<semaphore_mem>>) src(%dma_wait3A_98 : memref<10000xf32, #tpu.memory_space<vmem>>) dst(%dma_wait3A_96 : memref<10000xf32, #tpu.memory_space<hbm>>)
      tpu.yield
    }) : () -> ()
    %mul3A_58 = arith.constant 6 : i32
    %mul3A_59 = arith.muli %scan3A_1, %mul3A_58 : i32
    %add3A_60 = arith.constant 1 : i32
    %add3A_61 = arith.addi %mul3A_59, %add3A_60 : i32
    "tpu.region"() ({
      %run_scoped3A = tpu.sem_alloc : memref<!tpu.dma_semaphore, #tpu.memory_space<semaphore_mem>>
      %dma_start3A_80 = arith.constant 10000 : i32
      %dma_start3A_81 = tpu.memref_slice %arg9[%dma_start3A_80] : memref<60000xf32, #tpu.memory_space<vmem>> -> memref<10000xf32, #tpu.memory_space<vmem>>
      %dma_start3A_82 = arith.constant 0 : i32
      %dma_start3A_83 = tpu.memref_slice %arg5[%add3A_61, %add3A, %dma_start3A_82] : memref<6x32x10000xf32, #tpu.memory_space<hbm>> -> memref<1x1x10000xf32, #tpu.memory_space<hbm>>
      %dma_start3A_84 = tpu.memref_squeeze %dma_start3A_83 : memref<1x1x10000xf32, #tpu.memory_space<hbm>> -> memref<10000xf32, #tpu.memory_space<hbm>>
      %dma_start3A_85 = arith.constant 0 : i32
      %dma_start3A_86 = tpu.memref_slice %arg5[%add3A_61, %add3A, %dma_start3A_85] : memref<6x32x10000xf32, #tpu.memory_space<hbm>> -> memref<1x1x10000xf32, #tpu.memory_space<hbm>>
      %dma_start3A_87 = tpu.memref_squeeze %dma_start3A_86 : memref<1x1x10000xf32, #tpu.memory_space<hbm>> -> memref<10000xf32, #tpu.memory_space<hbm>>
      %dma_start3A_88 = arith.constant 10000 : i32
      %dma_start3A_89 = tpu.memref_slice %arg9[%dma_start3A_88] : memref<60000xf32, #tpu.memory_space<vmem>> -> memref<10000xf32, #tpu.memory_space<vmem>>
      tpu.enqueue_dma source(%dma_start3A_89 : memref<10000xf32, #tpu.memory_space<vmem>>) target(%dma_start3A_87 : memref<10000xf32, #tpu.memory_space<hbm>>) target_semaphore(%run_scoped3A : memref<!tpu.dma_semaphore, #tpu.memory_space<semaphore_mem>>)
      %dma_wait3A = arith.constant 10000 : i32
      %dma_wait3A_90 = tpu.memref_slice %arg9[%dma_wait3A] : memref<60000xf32, #tpu.memory_space<vmem>> -> memref<10000xf32, #tpu.memory_space<vmem>>
      %dma_wait3A_91 = arith.constant 0 : i32
      %dma_wait3A_92 = tpu.memref_slice %arg5[%add3A_61, %add3A, %dma_wait3A_91] : memref<6x32x10000xf32, #tpu.memory_space<hbm>> -> memref<1x1x10000xf32, #tpu.memory_space<hbm>>
      %dma_wait3A_93 = tpu.memref_squeeze %dma_wait3A_92 : memref<1x1x10000xf32, #tpu.memory_space<hbm>> -> memref<10000xf32, #tpu.memory_space<hbm>>
      %dma_wait3A_94 = arith.constant 0 : i32
      %dma_wait3A_95 = tpu.memref_slice %arg5[%add3A_61, %add3A, %dma_wait3A_94] : memref<6x32x10000xf32, #tpu.memory_space<hbm>> -> memref<1x1x10000xf32, #tpu.memory_space<hbm>>
      %dma_wait3A_96 = tpu.memref_squeeze %dma_wait3A_95 : memref<1x1x10000xf32, #tpu.memory_space<hbm>> -> memref<10000xf32, #tpu.memory_space<hbm>>
      %dma_wait3A_97 = arith.constant 10000 : i32
      %dma_wait3A_98 = tpu.memref_slice %arg9[%dma_wait3A_97] : memref<60000xf32, #tpu.memory_space<vmem>> -> memref<10000xf32, #tpu.memory_space<vmem>>
      tpu.wait_dma2 semaphore(%run_scoped3A : memref<!tpu.dma_semaphore, #tpu.memory_space<semaphore_mem>>) src(%dma_wait3A_98 : memref<10000xf32, #tpu.memory_space<vmem>>) dst(%dma_wait3A_96 : memref<10000xf32, #tpu.memory_space<hbm>>)
      tpu.yield
    }) : () -> ()
    %mul3A_62 = arith.constant 6 : i32
    %mul3A_63 = arith.muli %scan3A_1, %mul3A_62 : i32
    %add3A_64 = arith.constant 2 : i32
    %add3A_65 = arith.addi %mul3A_63, %add3A_64 : i32
    "tpu.region"() ({
      %run_scoped3A = tpu.sem_alloc : memref<!tpu.dma_semaphore, #tpu.memory_space<semaphore_mem>>
      %dma_start3A_80 = arith.constant 20000 : i32
      %dma_start3A_81 = tpu.memref_slice %arg9[%dma_start3A_80] : memref<60000xf32, #tpu.memory_space<vmem>> -> memref<10000xf32, #tpu.memory_space<vmem>>
      %dma_start3A_82 = arith.constant 0 : i32
      %dma_start3A_83 = tpu.memref_slice %arg5[%add3A_65, %add3A, %dma_start3A_82] : memref<6x32x10000xf32, #tpu.memory_space<hbm>> -> memref<1x1x10000xf32, #tpu.memory_space<hbm>>
      %dma_start3A_84 = tpu.memref_squeeze %dma_start3A_83 : memref<1x1x10000xf32, #tpu.memory_space<hbm>> -> memref<10000xf32, #tpu.memory_space<hbm>>
      %dma_start3A_85 = arith.constant 0 : i32
      %dma_start3A_86 = tpu.memref_slice %arg5[%add3A_65, %add3A, %dma_start3A_85] : memref<6x32x10000xf32, #tpu.memory_space<hbm>> -> memref<1x1x10000xf32, #tpu.memory_space<hbm>>
      %dma_start3A_87 = tpu.memref_squeeze %dma_start3A_86 : memref<1x1x10000xf32, #tpu.memory_space<hbm>> -> memref<10000xf32, #tpu.memory_space<hbm>>
      %dma_start3A_88 = arith.constant 20000 : i32
      %dma_start3A_89 = tpu.memref_slice %arg9[%dma_start3A_88] : memref<60000xf32, #tpu.memory_space<vmem>> -> memref<10000xf32, #tpu.memory_space<vmem>>
      tpu.enqueue_dma source(%dma_start3A_89 : memref<10000xf32, #tpu.memory_space<vmem>>) target(%dma_start3A_87 : memref<10000xf32, #tpu.memory_space<hbm>>) target_semaphore(%run_scoped3A : memref<!tpu.dma_semaphore, #tpu.memory_space<semaphore_mem>>)
      %dma_wait3A = arith.constant 20000 : i32
      %dma_wait3A_90 = tpu.memref_slice %arg9[%dma_wait3A] : memref<60000xf32, #tpu.memory_space<vmem>> -> memref<10000xf32, #tpu.memory_space<vmem>>
      %dma_wait3A_91 = arith.constant 0 : i32
      %dma_wait3A_92 = tpu.memref_slice %arg5[%add3A_65, %add3A, %dma_wait3A_91] : memref<6x32x10000xf32, #tpu.memory_space<hbm>> -> memref<1x1x10000xf32, #tpu.memory_space<hbm>>
      %dma_wait3A_93 = tpu.memref_squeeze %dma_wait3A_92 : memref<1x1x10000xf32, #tpu.memory_space<hbm>> -> memref<10000xf32, #tpu.memory_space<hbm>>
      %dma_wait3A_94 = arith.constant 0 : i32
      %dma_wait3A_95 = tpu.memref_slice %arg5[%add3A_65, %add3A, %dma_wait3A_94] : memref<6x32x10000xf32, #tpu.memory_space<hbm>> -> memref<1x1x10000xf32, #tpu.memory_space<hbm>>
      %dma_wait3A_96 = tpu.memref_squeeze %dma_wait3A_95 : memref<1x1x10000xf32, #tpu.memory_space<hbm>> -> memref<10000xf32, #tpu.memory_space<hbm>>
      %dma_wait3A_97 = arith.constant 20000 : i32
      %dma_wait3A_98 = tpu.memref_slice %arg9[%dma_wait3A_97] : memref<60000xf32, #tpu.memory_space<vmem>> -> memref<10000xf32, #tpu.memory_space<vmem>>
      tpu.wait_dma2 semaphore(%run_scoped3A : memref<!tpu.dma_semaphore, #tpu.memory_space<semaphore_mem>>) src(%dma_wait3A_98 : memref<10000xf32, #tpu.memory_space<vmem>>) dst(%dma_wait3A_96 : memref<10000xf32, #tpu.memory_space<hbm>>)
      tpu.yield
    }) : () -> ()
    %mul3A_66 = arith.constant 6 : i32
    %mul3A_67 = arith.muli %scan3A_1, %mul3A_66 : i32
    %add3A_68 = arith.constant 3 : i32
    %add3A_69 = arith.addi %mul3A_67, %add3A_68 : i32
    "tpu.region"() ({
      %run_scoped3A = tpu.sem_alloc : memref<!tpu.dma_semaphore, #tpu.memory_space<semaphore_mem>>
      %dma_start3A_80 = arith.constant 30000 : i32
      %dma_start3A_81 = tpu.memref_slice %arg9[%dma_start3A_80] : memref<60000xf32, #tpu.memory_space<vmem>> -> memref<10000xf32, #tpu.memory_space<vmem>>
      %dma_start3A_82 = arith.constant 0 : i32
      %dma_start3A_83 = tpu.memref_slice %arg5[%add3A_69, %add3A, %dma_start3A_82] : memref<6x32x10000xf32, #tpu.memory_space<hbm>> -> memref<1x1x10000xf32, #tpu.memory_space<hbm>>
      %dma_start3A_84 = tpu.memref_squeeze %dma_start3A_83 : memref<1x1x10000xf32, #tpu.memory_space<hbm>> -> memref<10000xf32, #tpu.memory_space<hbm>>
      %dma_start3A_85 = arith.constant 0 : i32
      %dma_start3A_86 = tpu.memref_slice %arg5[%add3A_69, %add3A, %dma_start3A_85] : memref<6x32x10000xf32, #tpu.memory_space<hbm>> -> memref<1x1x10000xf32, #tpu.memory_space<hbm>>
      %dma_start3A_87 = tpu.memref_squeeze %dma_start3A_86 : memref<1x1x10000xf32, #tpu.memory_space<hbm>> -> memref<10000xf32, #tpu.memory_space<hbm>>
      %dma_start3A_88 = arith.constant 30000 : i32
      %dma_start3A_89 = tpu.memref_slice %arg9[%dma_start3A_88] : memref<60000xf32, #tpu.memory_space<vmem>> -> memref<10000xf32, #tpu.memory_space<vmem>>
      tpu.enqueue_dma source(%dma_start3A_89 : memref<10000xf32, #tpu.memory_space<vmem>>) target(%dma_start3A_87 : memref<10000xf32, #tpu.memory_space<hbm>>) target_semaphore(%run_scoped3A : memref<!tpu.dma_semaphore, #tpu.memory_space<semaphore_mem>>)
      %dma_wait3A = arith.constant 30000 : i32
      %dma_wait3A_90 = tpu.memref_slice %arg9[%dma_wait3A] : memref<60000xf32, #tpu.memory_space<vmem>> -> memref<10000xf32, #tpu.memory_space<vmem>>
      %dma_wait3A_91 = arith.constant 0 : i32
      %dma_wait3A_92 = tpu.memref_slice %arg5[%add3A_69, %add3A, %dma_wait3A_91] : memref<6x32x10000xf32, #tpu.memory_space<hbm>> -> memref<1x1x10000xf32, #tpu.memory_space<hbm>>
      %dma_wait3A_93 = tpu.memref_squeeze %dma_wait3A_92 : memref<1x1x10000xf32, #tpu.memory_space<hbm>> -> memref<10000xf32, #tpu.memory_space<hbm>>
      %dma_wait3A_94 = arith.constant 0 : i32
      %dma_wait3A_95 = tpu.memref_slice %arg5[%add3A_69, %add3A, %dma_wait3A_94] : memref<6x32x10000xf32, #tpu.memory_space<hbm>> -> memref<1x1x10000xf32, #tpu.memory_space<hbm>>
      %dma_wait3A_96 = tpu.memref_squeeze %dma_wait3A_95 : memref<1x1x10000xf32, #tpu.memory_space<hbm>> -> memref<10000xf32, #tpu.memory_space<hbm>>
      %dma_wait3A_97 = arith.constant 30000 : i32
      %dma_wait3A_98 = tpu.memref_slice %arg9[%dma_wait3A_97] : memref<60000xf32, #tpu.memory_space<vmem>> -> memref<10000xf32, #tpu.memory_space<vmem>>
      tpu.wait_dma2 semaphore(%run_scoped3A : memref<!tpu.dma_semaphore, #tpu.memory_space<semaphore_mem>>) src(%dma_wait3A_98 : memref<10000xf32, #tpu.memory_space<vmem>>) dst(%dma_wait3A_96 : memref<10000xf32, #tpu.memory_space<hbm>>)
      tpu.yield
    }) : () -> ()
    %mul3A_70 = arith.constant 6 : i32
    %mul3A_71 = arith.muli %scan3A_1, %mul3A_70 : i32
    %add3A_72 = arith.constant 4 : i32
    %add3A_73 = arith.addi %mul3A_71, %add3A_72 : i32
    "tpu.region"() ({
      %run_scoped3A = tpu.sem_alloc : memref<!tpu.dma_semaphore, #tpu.memory_space<semaphore_mem>>
      %dma_start3A_80 = arith.constant 40000 : i32
      %dma_start3A_81 = tpu.memref_slice %arg9[%dma_start3A_80] : memref<60000xf32, #tpu.memory_space<vmem>> -> memref<10000xf32, #tpu.memory_space<vmem>>
      %dma_start3A_82 = arith.constant 0 : i32
      %dma_start3A_83 = tpu.memref_slice %arg5[%add3A_73, %add3A, %dma_start3A_82] : memref<6x32x10000xf32, #tpu.memory_space<hbm>> -> memref<1x1x10000xf32, #tpu.memory_space<hbm>>
      %dma_start3A_84 = tpu.memref_squeeze %dma_start3A_83 : memref<1x1x10000xf32, #tpu.memory_space<hbm>> -> memref<10000xf32, #tpu.memory_space<hbm>>
      %dma_start3A_85 = arith.constant 0 : i32
      %dma_start3A_86 = tpu.memref_slice %arg5[%add3A_73, %add3A, %dma_start3A_85] : memref<6x32x10000xf32, #tpu.memory_space<hbm>> -> memref<1x1x10000xf32, #tpu.memory_space<hbm>>
      %dma_start3A_87 = tpu.memref_squeeze %dma_start3A_86 : memref<1x1x10000xf32, #tpu.memory_space<hbm>> -> memref<10000xf32, #tpu.memory_space<hbm>>
      %dma_start3A_88 = arith.constant 40000 : i32
      %dma_start3A_89 = tpu.memref_slice %arg9[%dma_start3A_88] : memref<60000xf32, #tpu.memory_space<vmem>> -> memref<10000xf32, #tpu.memory_space<vmem>>
      tpu.enqueue_dma source(%dma_start3A_89 : memref<10000xf32, #tpu.memory_space<vmem>>) target(%dma_start3A_87 : memref<10000xf32, #tpu.memory_space<hbm>>) target_semaphore(%run_scoped3A : memref<!tpu.dma_semaphore, #tpu.memory_space<semaphore_mem>>)
      %dma_wait3A = arith.constant 40000 : i32
      %dma_wait3A_90 = tpu.memref_slice %arg9[%dma_wait3A] : memref<60000xf32, #tpu.memory_space<vmem>> -> memref<10000xf32, #tpu.memory_space<vmem>>
      %dma_wait3A_91 = arith.constant 0 : i32
      %dma_wait3A_92 = tpu.memref_slice %arg5[%add3A_73, %add3A, %dma_wait3A_91] : memref<6x32x10000xf32, #tpu.memory_space<hbm>> -> memref<1x1x10000xf32, #tpu.memory_space<hbm>>
      %dma_wait3A_93 = tpu.memref_squeeze %dma_wait3A_92 : memref<1x1x10000xf32, #tpu.memory_space<hbm>> -> memref<10000xf32, #tpu.memory_space<hbm>>
      %dma_wait3A_94 = arith.constant 0 : i32
      %dma_wait3A_95 = tpu.memref_slice %arg5[%add3A_73, %add3A, %dma_wait3A_94] : memref<6x32x10000xf32, #tpu.memory_space<hbm>> -> memref<1x1x10000xf32, #tpu.memory_space<hbm>>
      %dma_wait3A_96 = tpu.memref_squeeze %dma_wait3A_95 : memref<1x1x10000xf32, #tpu.memory_space<hbm>> -> memref<10000xf32, #tpu.memory_space<hbm>>
      %dma_wait3A_97 = arith.constant 40000 : i32
      %dma_wait3A_98 = tpu.memref_slice %arg9[%dma_wait3A_97] : memref<60000xf32, #tpu.memory_space<vmem>> -> memref<10000xf32, #tpu.memory_space<vmem>>
      tpu.wait_dma2 semaphore(%run_scoped3A : memref<!tpu.dma_semaphore, #tpu.memory_space<semaphore_mem>>) src(%dma_wait3A_98 : memref<10000xf32, #tpu.memory_space<vmem>>) dst(%dma_wait3A_96 : memref<10000xf32, #tpu.memory_space<hbm>>)
      tpu.yield
    }) : () -> ()
    %mul3A_74 = arith.constant 6 : i32
    %mul3A_75 = arith.muli %scan3A_1, %mul3A_74 : i32
    %add3A_76 = arith.constant 5 : i32
    %add3A_77 = arith.addi %mul3A_75, %add3A_76 : i32
    "tpu.region"() ({
      %run_scoped3A = tpu.sem_alloc : memref<!tpu.dma_semaphore, #tpu.memory_space<semaphore_mem>>
      %dma_start3A_80 = arith.constant 50000 : i32
      %dma_start3A_81 = tpu.memref_slice %arg9[%dma_start3A_80] : memref<60000xf32, #tpu.memory_space<vmem>> -> memref<10000xf32, #tpu.memory_space<vmem>>
      %dma_start3A_82 = arith.constant 0 : i32
      %dma_start3A_83 = tpu.memref_slice %arg5[%add3A_77, %add3A, %dma_start3A_82] : memref<6x32x10000xf32, #tpu.memory_space<hbm>> -> memref<1x1x10000xf32, #tpu.memory_space<hbm>>
      %dma_start3A_84 = tpu.memref_squeeze %dma_start3A_83 : memref<1x1x10000xf32, #tpu.memory_space<hbm>> -> memref<10000xf32, #tpu.memory_space<hbm>>
      %dma_start3A_85 = arith.constant 0 : i32
      %dma_start3A_86 = tpu.memref_slice %arg5[%add3A_77, %add3A, %dma_start3A_85] : memref<6x32x10000xf32, #tpu.memory_space<hbm>> -> memref<1x1x10000xf32, #tpu.memory_space<hbm>>
      %dma_start3A_87 = tpu.memref_squeeze %dma_start3A_86 : memref<1x1x10000xf32, #tpu.memory_space<hbm>> -> memref<10000xf32, #tpu.memory_space<hbm>>
      %dma_start3A_88 = arith.constant 50000 : i32
      %dma_start3A_89 = tpu.memref_slice %arg9[%dma_start3A_88] : memref<60000xf32, #tpu.memory_space<vmem>> -> memref<10000xf32, #tpu.memory_space<vmem>>
      tpu.enqueue_dma source(%dma_start3A_89 : memref<10000xf32, #tpu.memory_space<vmem>>) target(%dma_start3A_87 : memref<10000xf32, #tpu.memory_space<hbm>>) target_semaphore(%run_scoped3A : memref<!tpu.dma_semaphore, #tpu.memory_space<semaphore_mem>>)
      %dma_wait3A = arith.constant 50000 : i32
      %dma_wait3A_90 = tpu.memref_slice %arg9[%dma_wait3A] : memref<60000xf32, #tpu.memory_space<vmem>> -> memref<10000xf32, #tpu.memory_space<vmem>>
      %dma_wait3A_91 = arith.constant 0 : i32
      %dma_wait3A_92 = tpu.memref_slice %arg5[%add3A_77, %add3A, %dma_wait3A_91] : memref<6x32x10000xf32, #tpu.memory_space<hbm>> -> memref<1x1x10000xf32, #tpu.memory_space<hbm>>
      %dma_wait3A_93 = tpu.memref_squeeze %dma_wait3A_92 : memref<1x1x10000xf32, #tpu.memory_space<hbm>> -> memref<10000xf32, #tpu.memory_space<hbm>>
      %dma_wait3A_94 = arith.constant 0 : i32
      %dma_wait3A_95 = tpu.memref_slice %arg5[%add3A_77, %add3A, %dma_wait3A_94] : memref<6x32x10000xf32, #tpu.memory_space<hbm>> -> memref<1x1x10000xf32, #tpu.memory_space<hbm>>
      %dma_wait3A_96 = tpu.memref_squeeze %dma_wait3A_95 : memref<1x1x10000xf32, #tpu.memory_space<hbm>> -> memref<10000xf32, #tpu.memory_space<hbm>>
      %dma_wait3A_97 = arith.constant 50000 : i32
      %dma_wait3A_98 = tpu.memref_slice %arg9[%dma_wait3A_97] : memref<60000xf32, #tpu.memory_space<vmem>> -> memref<10000xf32, #tpu.memory_space<vmem>>
      tpu.wait_dma2 semaphore(%run_scoped3A : memref<!tpu.dma_semaphore, #tpu.memory_space<semaphore_mem>>) src(%dma_wait3A_98 : memref<10000xf32, #tpu.memory_space<vmem>>) dst(%dma_wait3A_96 : memref<10000xf32, #tpu.memory_space<hbm>>)
      tpu.yield
    }) : () -> ()
    %scan3A_78 = arith.constant 0 : i32
    %scan3A_79 = arith.constant 1 : i32
    return
  }
}

#map = affine_map<(d0, d1) -> (0, 0, 0)>
#map1 = affine_map<(d0, d1) -> (0)>
module attributes {stable_mosaic.version = 14 : i64} {
  func.func @sc_scatter(%arg0: i32, %arg1: i32, %arg2: memref<6x32x10000xf32, #tpu.memory_space<hbm>>, %arg3: memref<170000xi32, #tpu.memory_space<hbm>>, %arg4: memref<170000xf32, #tpu.memory_space<hbm>>, %arg5: memref<6x32x10000xf32, #tpu.memory_space<hbm>>, %arg6: memref<2x2560xi32, #tpu.memory_space<vmem>>, %arg7: memref<2x2560xf32, #tpu.memory_space<vmem>>, %arg8: memref<60000xf32, #tpu.memory_space<vmem>>, %arg9: memref<60000xf32, #tpu.memory_space<vmem>>, %arg10: memref<!tpu.dma_semaphore, #tpu.memory_space<semaphore_mem>>) attributes {dimension_semantics = [#tpu.dimension_semantics<core_parallel>, #tpu.dimension_semantics<subcore_parallel>], iteration_bounds = array<i64: 2, 16>, scalar_prefetch = 0 : i64, scratch_operands = 5 : i64, tpu.core_type = #tpu.core_type<sc_vector_subcore>, window_params = [{transform_indices = #map}, {transform_indices = #map1}, {transform_indices = #map1}, {transform_indices = #map}]} {
    %mul3A = arith.constant 16 : i32
    %mul3A_0 = arith.muli %arg0, %mul3A : i32
    %add3A = arith.addi %mul3A_0, %arg1 : i32
    %scan3A = arith.constant 0 : i32
    %scan3A_1 = arith.constant 0 : i32
    %mul3A_2 = arith.constant 6 : i32
    %mul3A_3 = arith.muli %scan3A_1, %mul3A_2 : i32
    %add3A_4 = arith.constant 0 : i32
    %add3A_5 = arith.addi %mul3A_3, %add3A_4 : i32
    "tpu.region"() ({
      %run_scoped3A = tpu.sem_alloc : memref<!tpu.dma_semaphore, #tpu.memory_space<semaphore_mem>>
      %dma_start3A_80 = arith.constant 0 : i32
      %dma_start3A_81 = tpu.memref_slice %arg8[%dma_start3A_80] : memref<60000xf32, #tpu.memory_space<vmem>> -> memref<10000xf32, #tpu.memory_space<vmem>>
      %dma_start3A_82 = arith.constant 0 : i32
      %dma_start3A_83 = tpu.memref_slice %arg2[%add3A_5, %add3A, %dma_start3A_82] : memref<6x32x10000xf32, #tpu.memory_space<hbm>> -> memref<1x1x10000xf32, #tpu.memory_space<hbm>>
      %dma_start3A_84 = tpu.memref_squeeze %dma_start3A_83 : memref<1x1x10000xf32, #tpu.memory_space<hbm>> -> memref<10000xf32, #tpu.memory_space<hbm>>
      %dma_start3A_85 = arith.constant 0 : i32
      %dma_start3A_86 = tpu.memref_slice %arg8[%dma_start3A_85] : memref<60000xf32, #tpu.memory_space<vmem>> -> memref<10000xf32, #tpu.memory_space<vmem>>
      %dma_start3A_87 = arith.constant 0 : i32
      %dma_start3A_88 = tpu.memref_slice %arg2[%add3A_5, %add3A, %dma_start3A_87] : memref<6x32x10000xf32, #tpu.memory_space<hbm>> -> memref<1x1x10000xf32, #tpu.memory_space<hbm>>
      %dma_start3A_89 = tpu.memref_squeeze %dma_start3A_88 : memref<1x1x10000xf32, #tpu.memory_space<hbm>> -> memref<10000xf32, #tpu.memory_space<hbm>>
      tpu.enqueue_dma source(%dma_start3A_89 : memref<10000xf32, #tpu.memory_space<hbm>>) target(%dma_start3A_86 : memref<10000xf32, #tpu.memory_space<vmem>>) target_semaphore(%run_scoped3A : memref<!tpu.dma_semaphore, #tpu.memory_space<semaphore_mem>>)
      %dma_wait3A = arith.constant 0 : i32
      %dma_wait3A_90 = tpu.memref_slice %arg8[%dma_wait3A] : memref<60000xf32, #tpu.memory_space<vmem>> -> memref<10000xf32, #tpu.memory_space<vmem>>
      %dma_wait3A_91 = arith.constant 0 : i32
      %dma_wait3A_92 = tpu.memref_slice %arg2[%add3A_5, %add3A, %dma_wait3A_91] : memref<6x32x10000xf32, #tpu.memory_space<hbm>> -> memref<1x1x10000xf32, #tpu.memory_space<hbm>>
      %dma_wait3A_93 = tpu.memref_squeeze %dma_wait3A_92 : memref<1x1x10000xf32, #tpu.memory_space<hbm>> -> memref<10000xf32, #tpu.memory_space<hbm>>
      %dma_wait3A_94 = arith.constant 0 : i32
      %dma_wait3A_95 = tpu.memref_slice %arg8[%dma_wait3A_94] : memref<60000xf32, #tpu.memory_space<vmem>> -> memref<10000xf32, #tpu.memory_space<vmem>>
      %dma_wait3A_96 = arith.constant 0 : i32
      %dma_wait3A_97 = tpu.memref_slice %arg2[%add3A_5, %add3A, %dma_wait3A_96] : memref<6x32x10000xf32, #tpu.memory_space<hbm>> -> memref<1x1x10000xf32, #tpu.memory_space<hbm>>
      %dma_wait3A_98 = tpu.memref_squeeze %dma_wait3A_97 : memref<1x1x10000xf32, #tpu.memory_space<hbm>> -> memref<10000xf32, #tpu.memory_space<hbm>>
      tpu.wait_dma2 semaphore(%run_scoped3A : memref<!tpu.dma_semaphore, #tpu.memory_space<semaphore_mem>>) src(%dma_wait3A_98 : memref<10000xf32, #tpu.memory_space<hbm>>) dst(%dma_wait3A_95 : memref<10000xf32, #tpu.memory_space<vmem>>)
      tpu.yield
    }) : () -> ()
    %mul3A_6 = arith.constant 6 : i32
    %mul3A_7 = arith.muli %scan3A_1, %mul3A_6 : i32
    %add3A_8 = arith.constant 1 : i32
    %add3A_9 = arith.addi %mul3A_7, %add3A_8 : i32
    "tpu.region"() ({
      %run_scoped3A = tpu.sem_alloc : memref<!tpu.dma_semaphore, #tpu.memory_space<semaphore_mem>>
      %dma_start3A_80 = arith.constant 10000 : i32
      %dma_start3A_81 = tpu.memref_slice %arg8[%dma_start3A_80] : memref<60000xf32, #tpu.memory_space<vmem>> -> memref<10000xf32, #tpu.memory_space<vmem>>
      %dma_start3A_82 = arith.constant 0 : i32
      %dma_start3A_83 = tpu.memref_slice %arg2[%add3A_9, %add3A, %dma_start3A_82] : memref<6x32x10000xf32, #tpu.memory_space<hbm>> -> memref<1x1x10000xf32, #tpu.memory_space<hbm>>
      %dma_start3A_84 = tpu.memref_squeeze %dma_start3A_83 : memref<1x1x10000xf32, #tpu.memory_space<hbm>> -> memref<10000xf32, #tpu.memory_space<hbm>>
      %dma_start3A_85 = arith.constant 10000 : i32
      %dma_start3A_86 = tpu.memref_slice %arg8[%dma_start3A_85] : memref<60000xf32, #tpu.memory_space<vmem>> -> memref<10000xf32, #tpu.memory_space<vmem>>
      %dma_start3A_87 = arith.constant 0 : i32
      %dma_start3A_88 = tpu.memref_slice %arg2[%add3A_9, %add3A, %dma_start3A_87] : memref<6x32x10000xf32, #tpu.memory_space<hbm>> -> memref<1x1x10000xf32, #tpu.memory_space<hbm>>
      %dma_start3A_89 = tpu.memref_squeeze %dma_start3A_88 : memref<1x1x10000xf32, #tpu.memory_space<hbm>> -> memref<10000xf32, #tpu.memory_space<hbm>>
      tpu.enqueue_dma source(%dma_start3A_89 : memref<10000xf32, #tpu.memory_space<hbm>>) target(%dma_start3A_86 : memref<10000xf32, #tpu.memory_space<vmem>>) target_semaphore(%run_scoped3A : memref<!tpu.dma_semaphore, #tpu.memory_space<semaphore_mem>>)
      %dma_wait3A = arith.constant 10000 : i32
      %dma_wait3A_90 = tpu.memref_slice %arg8[%dma_wait3A] : memref<60000xf32, #tpu.memory_space<vmem>> -> memref<10000xf32, #tpu.memory_space<vmem>>
      %dma_wait3A_91 = arith.constant 0 : i32
      %dma_wait3A_92 = tpu.memref_slice %arg2[%add3A_9, %add3A, %dma_wait3A_91] : memref<6x32x10000xf32, #tpu.memory_space<hbm>> -> memref<1x1x10000xf32, #tpu.memory_space<hbm>>
      %dma_wait3A_93 = tpu.memref_squeeze %dma_wait3A_92 : memref<1x1x10000xf32, #tpu.memory_space<hbm>> -> memref<10000xf32, #tpu.memory_space<hbm>>
      %dma_wait3A_94 = arith.constant 10000 : i32
      %dma_wait3A_95 = tpu.memref_slice %arg8[%dma_wait3A_94] : memref<60000xf32, #tpu.memory_space<vmem>> -> memref<10000xf32, #tpu.memory_space<vmem>>
      %dma_wait3A_96 = arith.constant 0 : i32
      %dma_wait3A_97 = tpu.memref_slice %arg2[%add3A_9, %add3A, %dma_wait3A_96] : memref<6x32x10000xf32, #tpu.memory_space<hbm>> -> memref<1x1x10000xf32, #tpu.memory_space<hbm>>
      %dma_wait3A_98 = tpu.memref_squeeze %dma_wait3A_97 : memref<1x1x10000xf32, #tpu.memory_space<hbm>> -> memref<10000xf32, #tpu.memory_space<hbm>>
      tpu.wait_dma2 semaphore(%run_scoped3A : memref<!tpu.dma_semaphore, #tpu.memory_space<semaphore_mem>>) src(%dma_wait3A_98 : memref<10000xf32, #tpu.memory_space<hbm>>) dst(%dma_wait3A_95 : memref<10000xf32, #tpu.memory_space<vmem>>)
      tpu.yield
    }) : () -> ()
    %mul3A_10 = arith.constant 6 : i32
    %mul3A_11 = arith.muli %scan3A_1, %mul3A_10 : i32
    %add3A_12 = arith.constant 2 : i32
    %add3A_13 = arith.addi %mul3A_11, %add3A_12 : i32
    "tpu.region"() ({
      %run_scoped3A = tpu.sem_alloc : memref<!tpu.dma_semaphore, #tpu.memory_space<semaphore_mem>>
      %dma_start3A_80 = arith.constant 20000 : i32
      %dma_start3A_81 = tpu.memref_slice %arg8[%dma_start3A_80] : memref<60000xf32, #tpu.memory_space<vmem>> -> memref<10000xf32, #tpu.memory_space<vmem>>
      %dma_start3A_82 = arith.constant 0 : i32
      %dma_start3A_83 = tpu.memref_slice %arg2[%add3A_13, %add3A, %dma_start3A_82] : memref<6x32x10000xf32, #tpu.memory_space<hbm>> -> memref<1x1x10000xf32, #tpu.memory_space<hbm>>
      %dma_start3A_84 = tpu.memref_squeeze %dma_start3A_83 : memref<1x1x10000xf32, #tpu.memory_space<hbm>> -> memref<10000xf32, #tpu.memory_space<hbm>>
      %dma_start3A_85 = arith.constant 20000 : i32
      %dma_start3A_86 = tpu.memref_slice %arg8[%dma_start3A_85] : memref<60000xf32, #tpu.memory_space<vmem>> -> memref<10000xf32, #tpu.memory_space<vmem>>
      %dma_start3A_87 = arith.constant 0 : i32
      %dma_start3A_88 = tpu.memref_slice %arg2[%add3A_13, %add3A, %dma_start3A_87] : memref<6x32x10000xf32, #tpu.memory_space<hbm>> -> memref<1x1x10000xf32, #tpu.memory_space<hbm>>
      %dma_start3A_89 = tpu.memref_squeeze %dma_start3A_88 : memref<1x1x10000xf32, #tpu.memory_space<hbm>> -> memref<10000xf32, #tpu.memory_space<hbm>>
      tpu.enqueue_dma source(%dma_start3A_89 : memref<10000xf32, #tpu.memory_space<hbm>>) target(%dma_start3A_86 : memref<10000xf32, #tpu.memory_space<vmem>>) target_semaphore(%run_scoped3A : memref<!tpu.dma_semaphore, #tpu.memory_space<semaphore_mem>>)
      %dma_wait3A = arith.constant 20000 : i32
      %dma_wait3A_90 = tpu.memref_slice %arg8[%dma_wait3A] : memref<60000xf32, #tpu.memory_space<vmem>> -> memref<10000xf32, #tpu.memory_space<vmem>>
      %dma_wait3A_91 = arith.constant 0 : i32
      %dma_wait3A_92 = tpu.memref_slice %arg2[%add3A_13, %add3A, %dma_wait3A_91] : memref<6x32x10000xf32, #tpu.memory_space<hbm>> -> memref<1x1x10000xf32, #tpu.memory_space<hbm>>
      %dma_wait3A_93 = tpu.memref_squeeze %dma_wait3A_92 : memref<1x1x10000xf32, #tpu.memory_space<hbm>> -> memref<10000xf32, #tpu.memory_space<hbm>>
      %dma_wait3A_94 = arith.constant 20000 : i32
      %dma_wait3A_95 = tpu.memref_slice %arg8[%dma_wait3A_94] : memref<60000xf32, #tpu.memory_space<vmem>> -> memref<10000xf32, #tpu.memory_space<vmem>>
      %dma_wait3A_96 = arith.constant 0 : i32
      %dma_wait3A_97 = tpu.memref_slice %arg2[%add3A_13, %add3A, %dma_wait3A_96] : memref<6x32x10000xf32, #tpu.memory_space<hbm>> -> memref<1x1x10000xf32, #tpu.memory_space<hbm>>
      %dma_wait3A_98 = tpu.memref_squeeze %dma_wait3A_97 : memref<1x1x10000xf32, #tpu.memory_space<hbm>> -> memref<10000xf32, #tpu.memory_space<hbm>>
      tpu.wait_dma2 semaphore(%run_scoped3A : memref<!tpu.dma_semaphore, #tpu.memory_space<semaphore_mem>>) src(%dma_wait3A_98 : memref<10000xf32, #tpu.memory_space<hbm>>) dst(%dma_wait3A_95 : memref<10000xf32, #tpu.memory_space<vmem>>)
      tpu.yield
    }) : () -> ()
    %mul3A_14 = arith.constant 6 : i32
    %mul3A_15 = arith.muli %scan3A_1, %mul3A_14 : i32
    %add3A_16 = arith.constant 3 : i32
    %add3A_17 = arith.addi %mul3A_15, %add3A_16 : i32
    "tpu.region"() ({
      %run_scoped3A = tpu.sem_alloc : memref<!tpu.dma_semaphore, #tpu.memory_space<semaphore_mem>>
      %dma_start3A_80 = arith.constant 30000 : i32
      %dma_start3A_81 = tpu.memref_slice %arg8[%dma_start3A_80] : memref<60000xf32, #tpu.memory_space<vmem>> -> memref<10000xf32, #tpu.memory_space<vmem>>
      %dma_start3A_82 = arith.constant 0 : i32
      %dma_start3A_83 = tpu.memref_slice %arg2[%add3A_17, %add3A, %dma_start3A_82] : memref<6x32x10000xf32, #tpu.memory_space<hbm>> -> memref<1x1x10000xf32, #tpu.memory_space<hbm>>
      %dma_start3A_84 = tpu.memref_squeeze %dma_start3A_83 : memref<1x1x10000xf32, #tpu.memory_space<hbm>> -> memref<10000xf32, #tpu.memory_space<hbm>>
      %dma_start3A_85 = arith.constant 30000 : i32
      %dma_start3A_86 = tpu.memref_slice %arg8[%dma_start3A_85] : memref<60000xf32, #tpu.memory_space<vmem>> -> memref<10000xf32, #tpu.memory_space<vmem>>
      %dma_start3A_87 = arith.constant 0 : i32
      %dma_start3A_88 = tpu.memref_slice %arg2[%add3A_17, %add3A, %dma_start3A_87] : memref<6x32x10000xf32, #tpu.memory_space<hbm>> -> memref<1x1x10000xf32, #tpu.memory_space<hbm>>
      %dma_start3A_89 = tpu.memref_squeeze %dma_start3A_88 : memref<1x1x10000xf32, #tpu.memory_space<hbm>> -> memref<10000xf32, #tpu.memory_space<hbm>>
      tpu.enqueue_dma source(%dma_start3A_89 : memref<10000xf32, #tpu.memory_space<hbm>>) target(%dma_start3A_86 : memref<10000xf32, #tpu.memory_space<vmem>>) target_semaphore(%run_scoped3A : memref<!tpu.dma_semaphore, #tpu.memory_space<semaphore_mem>>)
      %dma_wait3A = arith.constant 30000 : i32
      %dma_wait3A_90 = tpu.memref_slice %arg8[%dma_wait3A] : memref<60000xf32, #tpu.memory_space<vmem>> -> memref<10000xf32, #tpu.memory_space<vmem>>
      %dma_wait3A_91 = arith.constant 0 : i32
      %dma_wait3A_92 = tpu.memref_slice %arg2[%add3A_17, %add3A, %dma_wait3A_91] : memref<6x32x10000xf32, #tpu.memory_space<hbm>> -> memref<1x1x10000xf32, #tpu.memory_space<hbm>>
      %dma_wait3A_93 = tpu.memref_squeeze %dma_wait3A_92 : memref<1x1x10000xf32, #tpu.memory_space<hbm>> -> memref<10000xf32, #tpu.memory_space<hbm>>
      %dma_wait3A_94 = arith.constant 30000 : i32
      %dma_wait3A_95 = tpu.memref_slice %arg8[%dma_wait3A_94] : memref<60000xf32, #tpu.memory_space<vmem>> -> memref<10000xf32, #tpu.memory_space<vmem>>
      %dma_wait3A_96 = arith.constant 0 : i32
      %dma_wait3A_97 = tpu.memref_slice %arg2[%add3A_17, %add3A, %dma_wait3A_96] : memref<6x32x10000xf32, #tpu.memory_space<hbm>> -> memref<1x1x10000xf32, #tpu.memory_space<hbm>>
      %dma_wait3A_98 = tpu.memref_squeeze %dma_wait3A_97 : memref<1x1x10000xf32, #tpu.memory_space<hbm>> -> memref<10000xf32, #tpu.memory_space<hbm>>
      tpu.wait_dma2 semaphore(%run_scoped3A : memref<!tpu.dma_semaphore, #tpu.memory_space<semaphore_mem>>) src(%dma_wait3A_98 : memref<10000xf32, #tpu.memory_space<hbm>>) dst(%dma_wait3A_95 : memref<10000xf32, #tpu.memory_space<vmem>>)
      tpu.yield
    }) : () -> ()
    %mul3A_18 = arith.constant 6 : i32
    %mul3A_19 = arith.muli %scan3A_1, %mul3A_18 : i32
    %add3A_20 = arith.constant 4 : i32
    %add3A_21 = arith.addi %mul3A_19, %add3A_20 : i32
    "tpu.region"() ({
      %run_scoped3A = tpu.sem_alloc : memref<!tpu.dma_semaphore, #tpu.memory_space<semaphore_mem>>
      %dma_start3A_80 = arith.constant 40000 : i32
      %dma_start3A_81 = tpu.memref_slice %arg8[%dma_start3A_80] : memref<60000xf32, #tpu.memory_space<vmem>> -> memref<10000xf32, #tpu.memory_space<vmem>>
      %dma_start3A_82 = arith.constant 0 : i32
      %dma_start3A_83 = tpu.memref_slice %arg2[%add3A_21, %add3A, %dma_start3A_82] : memref<6x32x10000xf32, #tpu.memory_space<hbm>> -> memref<1x1x10000xf32, #tpu.memory_space<hbm>>
      %dma_start3A_84 = tpu.memref_squeeze %dma_start3A_83 : memref<1x1x10000xf32, #tpu.memory_space<hbm>> -> memref<10000xf32, #tpu.memory_space<hbm>>
      %dma_start3A_85 = arith.constant 40000 : i32
      %dma_start3A_86 = tpu.memref_slice %arg8[%dma_start3A_85] : memref<60000xf32, #tpu.memory_space<vmem>> -> memref<10000xf32, #tpu.memory_space<vmem>>
      %dma_start3A_87 = arith.constant 0 : i32
      %dma_start3A_88 = tpu.memref_slice %arg2[%add3A_21, %add3A, %dma_start3A_87] : memref<6x32x10000xf32, #tpu.memory_space<hbm>> -> memref<1x1x10000xf32, #tpu.memory_space<hbm>>
      %dma_start3A_89 = tpu.memref_squeeze %dma_start3A_88 : memref<1x1x10000xf32, #tpu.memory_space<hbm>> -> memref<10000xf32, #tpu.memory_space<hbm>>
      tpu.enqueue_dma source(%dma_start3A_89 : memref<10000xf32, #tpu.memory_space<hbm>>) target(%dma_start3A_86 : memref<10000xf32, #tpu.memory_space<vmem>>) target_semaphore(%run_scoped3A : memref<!tpu.dma_semaphore, #tpu.memory_space<semaphore_mem>>)
      %dma_wait3A = arith.constant 40000 : i32
      %dma_wait3A_90 = tpu.memref_slice %arg8[%dma_wait3A] : memref<60000xf32, #tpu.memory_space<vmem>> -> memref<10000xf32, #tpu.memory_space<vmem>>
      %dma_wait3A_91 = arith.constant 0 : i32
      %dma_wait3A_92 = tpu.memref_slice %arg2[%add3A_21, %add3A, %dma_wait3A_91] : memref<6x32x10000xf32, #tpu.memory_space<hbm>> -> memref<1x1x10000xf32, #tpu.memory_space<hbm>>
      %dma_wait3A_93 = tpu.memref_squeeze %dma_wait3A_92 : memref<1x1x10000xf32, #tpu.memory_space<hbm>> -> memref<10000xf32, #tpu.memory_space<hbm>>
      %dma_wait3A_94 = arith.constant 40000 : i32
      %dma_wait3A_95 = tpu.memref_slice %arg8[%dma_wait3A_94] : memref<60000xf32, #tpu.memory_space<vmem>> -> memref<10000xf32, #tpu.memory_space<vmem>>
      %dma_wait3A_96 = arith.constant 0 : i32
      %dma_wait3A_97 = tpu.memref_slice %arg2[%add3A_21, %add3A, %dma_wait3A_96] : memref<6x32x10000xf32, #tpu.memory_space<hbm>> -> memref<1x1x10000xf32, #tpu.memory_space<hbm>>
      %dma_wait3A_98 = tpu.memref_squeeze %dma_wait3A_97 : memref<1x1x10000xf32, #tpu.memory_space<hbm>> -> memref<10000xf32, #tpu.memory_space<hbm>>
      tpu.wait_dma2 semaphore(%run_scoped3A : memref<!tpu.dma_semaphore, #tpu.memory_space<semaphore_mem>>) src(%dma_wait3A_98 : memref<10000xf32, #tpu.memory_space<hbm>>) dst(%dma_wait3A_95 : memref<10000xf32, #tpu.memory_space<vmem>>)
      tpu.yield
    }) : () -> ()
    %mul3A_22 = arith.constant 6 : i32
    %mul3A_23 = arith.muli %scan3A_1, %mul3A_22 : i32
    %add3A_24 = arith.constant 5 : i32
    %add3A_25 = arith.addi %mul3A_23, %add3A_24 : i32
    "tpu.region"() ({
      %run_scoped3A = tpu.sem_alloc : memref<!tpu.dma_semaphore, #tpu.memory_space<semaphore_mem>>
      %dma_start3A_80 = arith.constant 50000 : i32
      %dma_start3A_81 = tpu.memref_slice %arg8[%dma_start3A_80] : memref<60000xf32, #tpu.memory_space<vmem>> -> memref<10000xf32, #tpu.memory_space<vmem>>
      %dma_start3A_82 = arith.constant 0 : i32
      %dma_start3A_83 = tpu.memref_slice %arg2[%add3A_25, %add3A, %dma_start3A_82] : memref<6x32x10000xf32, #tpu.memory_space<hbm>> -> memref<1x1x10000xf32, #tpu.memory_space<hbm>>
      %dma_start3A_84 = tpu.memref_squeeze %dma_start3A_83 : memref<1x1x10000xf32, #tpu.memory_space<hbm>> -> memref<10000xf32, #tpu.memory_space<hbm>>
      %dma_start3A_85 = arith.constant 50000 : i32
      %dma_start3A_86 = tpu.memref_slice %arg8[%dma_start3A_85] : memref<60000xf32, #tpu.memory_space<vmem>> -> memref<10000xf32, #tpu.memory_space<vmem>>
      %dma_start3A_87 = arith.constant 0 : i32
      %dma_start3A_88 = tpu.memref_slice %arg2[%add3A_25, %add3A, %dma_start3A_87] : memref<6x32x10000xf32, #tpu.memory_space<hbm>> -> memref<1x1x10000xf32, #tpu.memory_space<hbm>>
      %dma_start3A_89 = tpu.memref_squeeze %dma_start3A_88 : memref<1x1x10000xf32, #tpu.memory_space<hbm>> -> memref<10000xf32, #tpu.memory_space<hbm>>
      tpu.enqueue_dma source(%dma_start3A_89 : memref<10000xf32, #tpu.memory_space<hbm>>) target(%dma_start3A_86 : memref<10000xf32, #tpu.memory_space<vmem>>) target_semaphore(%run_scoped3A : memref<!tpu.dma_semaphore, #tpu.memory_space<semaphore_mem>>)
      %dma_wait3A = arith.constant 50000 : i32
      %dma_wait3A_90 = tpu.memref_slice %arg8[%dma_wait3A] : memref<60000xf32, #tpu.memory_space<vmem>> -> memref<10000xf32, #tpu.memory_space<vmem>>
      %dma_wait3A_91 = arith.constant 0 : i32
      %dma_wait3A_92 = tpu.memref_slice %arg2[%add3A_25, %add3A, %dma_wait3A_91] : memref<6x32x10000xf32, #tpu.memory_space<hbm>> -> memref<1x1x10000xf32, #tpu.memory_space<hbm>>
      %dma_wait3A_93 = tpu.memref_squeeze %dma_wait3A_92 : memref<1x1x10000xf32, #tpu.memory_space<hbm>> -> memref<10000xf32, #tpu.memory_space<hbm>>
      %dma_wait3A_94 = arith.constant 50000 : i32
      %dma_wait3A_95 = tpu.memref_slice %arg8[%dma_wait3A_94] : memref<60000xf32, #tpu.memory_space<vmem>> -> memref<10000xf32, #tpu.memory_space<vmem>>
      %dma_wait3A_96 = arith.constant 0 : i32
      %dma_wait3A_97 = tpu.memref_slice %arg2[%add3A_25, %add3A, %dma_wait3A_96] : memref<6x32x10000xf32, #tpu.memory_space<hbm>> -> memref<1x1x10000xf32, #tpu.memory_space<hbm>>
      %dma_wait3A_98 = tpu.memref_squeeze %dma_wait3A_97 : memref<1x1x10000xf32, #tpu.memory_space<hbm>> -> memref<10000xf32, #tpu.memory_space<hbm>>
      tpu.wait_dma2 semaphore(%run_scoped3A : memref<!tpu.dma_semaphore, #tpu.memory_space<semaphore_mem>>) src(%dma_wait3A_98 : memref<10000xf32, #tpu.memory_space<hbm>>) dst(%dma_wait3A_95 : memref<10000xf32, #tpu.memory_space<vmem>>)
      tpu.yield
    }) : () -> ()
    %parallel_loop3A = arith.constant 0 : i32
    %parallel_loop3A_26 = arith.constant 3750 : i32
    %parallel_loop3A_27 = arith.constant 1 : i32
    scf.for %parallel_loop3A_80 = %parallel_loop3A to %parallel_loop3A_26 step %parallel_loop3A_27  : i32 {
      %parallel_loop3A_81 = arith.constant 0.000000e+00 : f32
      %parallel_loop3A_82 = vector.broadcast %parallel_loop3A_81 : f32 to vector<16xf32>
      %parallel_loop3A_83 = arith.constant 16 : i32
      %parallel_loop3A_84 = arith.muli %parallel_loop3A_80, %parallel_loop3A_83 : i32
      %parallel_loop3A_85 = arith.index_cast %parallel_loop3A_84 : i32 to index
      %parallel_loop3A_86 = tpu.vector_load %arg9[%parallel_loop3A_85] {strides = array<i32>} : memref<60000xf32, #tpu.memory_space<vmem>>, vector<16xf32>,
      tpu.vector_store %arg9[%parallel_loop3A_85], %parallel_loop3A_82 {strides = array<i32>} : memref<60000xf32, #tpu.memory_space<vmem>>, vector<16xf32>,
    } {sc.loop_unroll_factor = 1 : i64, sc.parallel_access}
    %min3A = arith.constant 0 : i32
    %min3A_28 = arith.constant 167440 : i32
    %min3A_29 = arith.minsi %min3A, %min3A_28 : i32
    %dma_start3A = arith.constant 0 : i32
    %dma_start3A_30 = arith.constant 0 : i32
    %dma_start3A_31 = tpu.memref_slice %arg6[%dma_start3A, %dma_start3A_30] : memref<2x2560xi32, #tpu.memory_space<vmem>> -> memref<1x2560xi32, #tpu.memory_space<vmem>>
    %dma_start3A_32 = tpu.memref_squeeze %dma_start3A_31 : memref<1x2560xi32, #tpu.memory_space<vmem>> -> memref<2560xi32, #tpu.memory_space<vmem>>
    %dma_start3A_33 = tpu.memref_slice %arg3[%min3A_29] : memref<170000xi32, #tpu.memory_space<hbm>> -> memref<2560xi32, #tpu.memory_space<hbm>>
    %dma_start3A_34 = arith.constant 0 : i32
    %dma_start3A_35 = tpu.memref_slice %arg6[%dma_start3A, %dma_start3A_34] : memref<2x2560xi32, #tpu.memory_space<vmem>> -> memref<1x2560xi32, #tpu.memory_space<vmem>>
    %dma_start3A_36 = tpu.memref_squeeze %dma_start3A_35 : memref<1x2560xi32, #tpu.memory_space<vmem>> -> memref<2560xi32, #tpu.memory_space<vmem>>
    %dma_start3A_37 = tpu.memref_slice %arg3[%min3A_29] : memref<170000xi32, #tpu.memory_space<hbm>> -> memref<2560xi32, #tpu.memory_space<hbm>>
    tpu.enqueue_dma source(%dma_start3A_37 : memref<2560xi32, #tpu.memory_space<hbm>>) target(%dma_start3A_36 : memref<2560xi32, #tpu.memory_space<vmem>>) target_semaphore(%arg10 : memref<!tpu.dma_semaphore, #tpu.memory_space<semaphore_mem>>)
    %dma_start3A_38 = arith.constant 0 : i32
    %dma_start3A_39 = arith.constant 0 : i32
    %dma_start3A_40 = tpu.memref_slice %arg7[%dma_start3A_38, %dma_start3A_39] : memref<2x2560xf32, #tpu.memory_space<vmem>> -> memref<1x2560xf32, #tpu.memory_space<vmem>>
    %dma_start3A_41 = tpu.memref_squeeze %dma_start3A_40 : memref<1x2560xf32, #tpu.memory_space<vmem>> -> memref<2560xf32, #tpu.memory_space<vmem>>
    %dma_start3A_42 = tpu.memref_slice %arg4[%min3A_29] : memref<170000xf32, #tpu.memory_space<hbm>> -> memref<2560xf32, #tpu.memory_space<hbm>>
    %dma_start3A_43 = arith.constant 0 : i32
    %dma_start3A_44 = tpu.memref_slice %arg7[%dma_start3A_38, %dma_start3A_43] : memref<2x2560xf32, #tpu.memory_space<vmem>> -> memref<1x2560xf32, #tpu.memory_space<vmem>>
    %dma_start3A_45 = tpu.memref_squeeze %dma_start3A_44 : memref<1x2560xf32, #tpu.memory_space<vmem>> -> memref<2560xf32, #tpu.memory_space<vmem>>
    %dma_start3A_46 = tpu.memref_slice %arg4[%min3A_29] : memref<170000xf32, #tpu.memory_space<hbm>> -> memref<2560xf32, #tpu.memory_space<hbm>>
    tpu.enqueue_dma source(%dma_start3A_46 : memref<2560xf32, #tpu.memory_space<hbm>>) target(%dma_start3A_45 : memref<2560xf32, #tpu.memory_space<vmem>>) target_semaphore(%arg10 : memref<!tpu.dma_semaphore, #tpu.memory_space<semaphore_mem>>)
    %scan3A_47 = arith.constant 0 : i32
    %scan3A_48 = arith.constant 0 : i32
    %scan3A_49 = arith.constant 67 : i32
    %scan3A_50 = arith.addi %scan3A_48, %scan3A_49 : i32
    %scan3A_51 = arith.constant 1 : i32
    %scan3A_52 = scf.for %scan3A_80 = %scan3A_48 to %scan3A_50 step %scan3A_51 iter_args(%scan3A_81 = %scan3A_47) -> (i32)  : i32 {
      %rem3A = arith.constant 2 : i32
      %rem3A_82 = arith.remsi %scan3A_80, %rem3A : i32
      %dma_wait3A = arith.constant 0 : i32
      %dma_wait3A_83 = arith.constant 0 : i32
      %dma_wait3A_84 = tpu.memref_slice %arg6[%dma_wait3A, %dma_wait3A_83] : memref<2x2560xi32, #tpu.memory_space<vmem>> -> memref<1x2560xi32, #tpu.memory_space<vmem>>
      %dma_wait3A_85 = tpu.memref_squeeze %dma_wait3A_84 : memref<1x2560xi32, #tpu.memory_space<vmem>> -> memref<2560xi32, #tpu.memory_space<vmem>>
      %dma_wait3A_86 = arith.constant 0 : i32
      %dma_wait3A_87 = tpu.memref_slice %arg3[%dma_wait3A_86] : memref<170000xi32, #tpu.memory_space<hbm>> -> memref<2560xi32, #tpu.memory_space<hbm>>
      %dma_wait3A_88 = arith.constant 0 : i32
      %dma_wait3A_89 = tpu.memref_slice %arg6[%dma_wait3A, %dma_wait3A_88] : memref<2x2560xi32, #tpu.memory_space<vmem>> -> memref<1x2560xi32, #tpu.memory_space<vmem>>
      %dma_wait3A_90 = tpu.memref_squeeze %dma_wait3A_89 : memref<1x2560xi32, #tpu.memory_space<vmem>> -> memref<2560xi32, #tpu.memory_space<vmem>>
      %dma_wait3A_91 = arith.constant 0 : i32
      %dma_wait3A_92 = tpu.memref_slice %arg3[%dma_wait3A_91] : memref<170000xi32, #tpu.memory_space<hbm>> -> memref<2560xi32, #tpu.memory_space<hbm>>
      tpu.wait_dma2 semaphore(%arg10 : memref<!tpu.dma_semaphore, #tpu.memory_space<semaphore_mem>>) src(%dma_wait3A_92 : memref<2560xi32, #tpu.memory_space<hbm>>) dst(%dma_wait3A_90 : memref<2560xi32, #tpu.memory_space<vmem>>)
      %dma_wait3A_93 = arith.constant 0 : i32
      %dma_wait3A_94 = arith.constant 0 : i32
      %dma_wait3A_95 = tpu.memref_slice %arg7[%dma_wait3A_93, %dma_wait3A_94] : memref<2x2560xf32, #tpu.memory_space<vmem>> -> memref<1x2560xf32, #tpu.memory_space<vmem>>
      %dma_wait3A_96 = tpu.memref_squeeze %dma_wait3A_95 : memref<1x2560xf32, #tpu.memory_space<vmem>> -> memref<2560xf32, #tpu.memory_space<vmem>>
      %dma_wait3A_97 = arith.constant 0 : i32
      %dma_wait3A_98 = tpu.memref_slice %arg4[%dma_wait3A_97] : memref<170000xf32, #tpu.memory_space<hbm>> -> memref<2560xf32, #tpu.memory_space<hbm>>
      %dma_wait3A_99 = arith.constant 0 : i32
      %dma_wait3A_100 = tpu.memref_slice %arg7[%dma_wait3A_93, %dma_wait3A_99] : memref<2x2560xf32, #tpu.memory_space<vmem>> -> memref<1x2560xf32, #tpu.memory_space<vmem>>
      %dma_wait3A_101 = tpu.memref_squeeze %dma_wait3A_100 : memref<1x2560xf32, #tpu.memory_space<vmem>> -> memref<2560xf32, #tpu.memory_space<vmem>>
      %dma_wait3A_102 = arith.constant 0 : i32
      %dma_wait3A_103 = tpu.memref_slice %arg4[%dma_wait3A_102] : memref<170000xf32, #tpu.memory_space<hbm>> -> memref<2560xf32, #tpu.memory_space<hbm>>
      tpu.wait_dma2 semaphore(%arg10 : memref<!tpu.dma_semaphore, #tpu.memory_space<semaphore_mem>>) src(%dma_wait3A_103 : memref<2560xf32, #tpu.memory_space<hbm>>) dst(%dma_wait3A_101 : memref<2560xf32, #tpu.memory_space<vmem>>)
      %add3A_104 = arith.constant 1 : i32
      %add3A_105 = arith.addi %scan3A_80, %add3A_104 : i32
      %lt3A = arith.constant 67 : i32
      %lt3A_106 = arith.cmpi slt, %add3A_105, %lt3A : i32
      %convert_element_type3A = arith.extui %lt3A_106 : i1 to i32
      %cond3A = arith.constant 0 : i32
      %cond3A_107 = arith.cmpi ne, %convert_element_type3A, %cond3A : i32
      scf.if %cond3A_107 {
        %add3A_114 = arith.constant 1 : i32
        %add3A_115 = arith.addi %scan3A_80, %add3A_114 : i32
        %sub3A = arith.constant 1 : i32
        %sub3A_116 = arith.subi %sub3A, %rem3A_82 : i32
        %mul3A_117 = arith.constant 2560 : i32
        %mul3A_118 = arith.muli %add3A_115, %mul3A_117 : i32
        %min3A_119 = arith.constant 167440 : i32
        %min3A_120 = arith.minsi %mul3A_118, %min3A_119 : i32
        %dma_start3A_121 = arith.constant 0 : i32
        %dma_start3A_122 = tpu.memref_slice %arg6[%sub3A_116, %dma_start3A_121] : memref<2x2560xi32, #tpu.memory_space<vmem>> -> memref<1x2560xi32, #tpu.memory_space<vmem>>
        %dma_start3A_123 = tpu.memref_squeeze %dma_start3A_122 : memref<1x2560xi32, #tpu.memory_space<vmem>> -> memref<2560xi32, #tpu.memory_space<vmem>>
        %dma_start3A_124 = tpu.memref_slice %arg3[%min3A_120] : memref<170000xi32, #tpu.memory_space<hbm>> -> memref<2560xi32, #tpu.memory_space<hbm>>
        %dma_start3A_125 = arith.constant 0 : i32
        %dma_start3A_126 = tpu.memref_slice %arg6[%sub3A_116, %dma_start3A_125] : memref<2x2560xi32, #tpu.memory_space<vmem>> -> memref<1x2560xi32, #tpu.memory_space<vmem>>
        %dma_start3A_127 = tpu.memref_squeeze %dma_start3A_126 : memref<1x2560xi32, #tpu.memory_space<vmem>> -> memref<2560xi32, #tpu.memory_space<vmem>>
        %dma_start3A_128 = tpu.memref_slice %arg3[%min3A_120] : memref<170000xi32, #tpu.memory_space<hbm>> -> memref<2560xi32, #tpu.memory_space<hbm>>
        tpu.enqueue_dma source(%dma_start3A_128 : memref<2560xi32, #tpu.memory_space<hbm>>) target(%dma_start3A_127 : memref<2560xi32, #tpu.memory_space<vmem>>) target_semaphore(%arg10 : memref<!tpu.dma_semaphore, #tpu.memory_space<semaphore_mem>>)
        %dma_start3A_129 = arith.constant 0 : i32
        %dma_start3A_130 = tpu.memref_slice %arg7[%sub3A_116, %dma_start3A_129] : memref<2x2560xf32, #tpu.memory_space<vmem>> -> memref<1x2560xf32, #tpu.memory_space<vmem>>
        %dma_start3A_131 = tpu.memref_squeeze %dma_start3A_130 : memref<1x2560xf32, #tpu.memory_space<vmem>> -> memref<2560xf32, #tpu.memory_space<vmem>>
        %dma_start3A_132 = tpu.memref_slice %arg4[%min3A_120] : memref<170000xf32, #tpu.memory_space<hbm>> -> memref<2560xf32, #tpu.memory_space<hbm>>
        %dma_start3A_133 = arith.constant 0 : i32
        %dma_start3A_134 = tpu.memref_slice %arg7[%sub3A_116, %dma_start3A_133] : memref<2x2560xf32, #tpu.memory_space<vmem>> -> memref<1x2560xf32, #tpu.memory_space<vmem>>
        %dma_start3A_135 = tpu.memref_squeeze %dma_start3A_134 : memref<1x2560xf32, #tpu.memory_space<vmem>> -> memref<2560xf32, #tpu.memory_space<vmem>>
        %dma_start3A_136 = tpu.memref_slice %arg4[%min3A_120] : memref<170000xf32, #tpu.memory_space<hbm>> -> memref<2560xf32, #tpu.memory_space<hbm>>
        tpu.enqueue_dma source(%dma_start3A_136 : memref<2560xf32, #tpu.memory_space<hbm>>) target(%dma_start3A_135 : memref<2560xf32, #tpu.memory_space<vmem>>) target_semaphore(%arg10 : memref<!tpu.dma_semaphore, #tpu.memory_space<semaphore_mem>>)
      } else {
      }
      %eq3A = arith.constant 66 : i32
      %eq3A_108 = arith.cmpi eq, %scan3A_80, %eq3A : i32
      %jit3A = arith.constant 95 : i32
      %jit3A_109 = arith.constant 0 : i32
      %select_n3A = arith.select %eq3A_108, %jit3A, %jit3A_109 : i32
      %parallel_loop3A_110 = arith.constant 0 : i32
      %parallel_loop3A_111 = arith.constant 160 : i32
      %parallel_loop3A_112 = arith.constant 1 : i32
      scf.for %parallel_loop3A_114 = %parallel_loop3A_110 to %parallel_loop3A_111 step %parallel_loop3A_112  : i32 {
        %parallel_loop3A_115 = arith.constant 16 : i32
        %parallel_loop3A_116 = arith.muli %parallel_loop3A_114, %parallel_loop3A_115 : i32
        %parallel_loop3A_117 = arith.index_cast %rem3A_82 : i32 to index
        %parallel_loop3A_118 = arith.index_cast %parallel_loop3A_116 : i32 to index
        %parallel_loop3A_119 = tpu.vector_load %arg6[%parallel_loop3A_117, %parallel_loop3A_118] {strides = array<i32>} : memref<2x2560xi32, #tpu.memory_space<vmem>>, vector<16xi32>,
        %parallel_loop3A_120 = arith.constant 14 : i32
        %parallel_loop3A_121 = vector.broadcast %parallel_loop3A_120 : i32 to vector<16xi32>
        %parallel_loop3A_122 = arith.shrui %parallel_loop3A_119, %parallel_loop3A_121 : vector<16xi32>
        %parallel_loop3A_123 = arith.constant 16383 : i32
        %parallel_loop3A_124 = vector.broadcast %parallel_loop3A_123 : i32 to vector<16xi32>
        %parallel_loop3A_125 = arith.andi %parallel_loop3A_119, %parallel_loop3A_124 : vector<16xi32>
        %parallel_loop3A_126 = arith.index_cast %rem3A_82 : i32 to index
        %parallel_loop3A_127 = arith.index_cast %parallel_loop3A_116 : i32 to index
        %parallel_loop3A_128 = tpu.vector_load %arg7[%parallel_loop3A_126, %parallel_loop3A_127] {strides = array<i32>} : memref<2x2560xf32, #tpu.memory_space<vmem>>, vector<16xf32>,
        %parallel_loop3A_129 = arith.cmpi sge, %parallel_loop3A_114, %select_n3A : i32
        %parallel_loop3A_130 = arith.constant 1.000000e+00 : f32
        %parallel_loop3A_131 = arith.constant 0.000000e+00 : f32
        %parallel_loop3A_132 = arith.select %parallel_loop3A_129, %parallel_loop3A_130, %parallel_loop3A_131 : f32
        %parallel_loop3A_133 = vector.broadcast %parallel_loop3A_132 : f32 to vector<16xf32>
        %parallel_loop3A_134 = arith.mulf %parallel_loop3A_128, %parallel_loop3A_133 : vector<16xf32>
        %parallel_loop3A_135 = arith.constant 0 : i32
        %parallel_loop3A_136 = vector.broadcast %parallel_loop3A_135 : i32 to vector<16xi32>
        %parallel_loop3A_137 = arith.addi %parallel_loop3A_125, %parallel_loop3A_136 : vector<16xi32>
        %parallel_loop3A_138 = tpu.vector_load_idx %arg8[%parallel_loop3A_137] : memref<60000xf32, #tpu.memory_space<vmem>>[vector<16xi32>], vector<16xf32>,
        %parallel_loop3A_139 = arith.mulf %parallel_loop3A_138, %parallel_loop3A_134 : vector<16xf32>
        %parallel_loop3A_140 = arith.constant 10000 : i32
        %parallel_loop3A_141 = vector.broadcast %parallel_loop3A_140 : i32 to vector<16xi32>
        %parallel_loop3A_142 = arith.addi %parallel_loop3A_125, %parallel_loop3A_141 : vector<16xi32>
        %parallel_loop3A_143 = tpu.vector_load_idx %arg8[%parallel_loop3A_142] : memref<60000xf32, #tpu.memory_space<vmem>>[vector<16xi32>], vector<16xf32>,
        %parallel_loop3A_144 = arith.mulf %parallel_loop3A_143, %parallel_loop3A_134 : vector<16xf32>
        %parallel_loop3A_145 = arith.constant 20000 : i32
        %parallel_loop3A_146 = vector.broadcast %parallel_loop3A_145 : i32 to vector<16xi32>
        %parallel_loop3A_147 = arith.addi %parallel_loop3A_125, %parallel_loop3A_146 : vector<16xi32>
        %parallel_loop3A_148 = tpu.vector_load_idx %arg8[%parallel_loop3A_147] : memref<60000xf32, #tpu.memory_space<vmem>>[vector<16xi32>], vector<16xf32>,
        %parallel_loop3A_149 = arith.mulf %parallel_loop3A_148, %parallel_loop3A_134 : vector<16xf32>
        %parallel_loop3A_150 = arith.constant 30000 : i32
        %parallel_loop3A_151 = vector.broadcast %parallel_loop3A_150 : i32 to vector<16xi32>
        %parallel_loop3A_152 = arith.addi %parallel_loop3A_125, %parallel_loop3A_151 : vector<16xi32>
        %parallel_loop3A_153 = tpu.vector_load_idx %arg8[%parallel_loop3A_152] : memref<60000xf32, #tpu.memory_space<vmem>>[vector<16xi32>], vector<16xf32>,
        %parallel_loop3A_154 = arith.mulf %parallel_loop3A_153, %parallel_loop3A_134 : vector<16xf32>
        %parallel_loop3A_155 = arith.constant 40000 : i32
        %parallel_loop3A_156 = vector.broadcast %parallel_loop3A_155 : i32 to vector<16xi32>
        %parallel_loop3A_157 = arith.addi %parallel_loop3A_125, %parallel_loop3A_156 : vector<16xi32>
        %parallel_loop3A_158 = tpu.vector_load_idx %arg8[%parallel_loop3A_157] : memref<60000xf32, #tpu.memory_space<vmem>>[vector<16xi32>], vector<16xf32>,
        %parallel_loop3A_159 = arith.mulf %parallel_loop3A_158, %parallel_loop3A_134 : vector<16xf32>
        %parallel_loop3A_160 = arith.constant 50000 : i32
        %parallel_loop3A_161 = vector.broadcast %parallel_loop3A_160 : i32 to vector<16xi32>
        %parallel_loop3A_162 = arith.addi %parallel_loop3A_125, %parallel_loop3A_161 : vector<16xi32>
        %parallel_loop3A_163 = tpu.vector_load_idx %arg8[%parallel_loop3A_162] : memref<60000xf32, #tpu.memory_space<vmem>>[vector<16xi32>], vector<16xf32>,
        %parallel_loop3A_164 = arith.mulf %parallel_loop3A_163, %parallel_loop3A_134 : vector<16xf32>
        %parallel_loop3A_165 = arith.constant 0 : i32
        %parallel_loop3A_166 = vector.broadcast %parallel_loop3A_165 : i32 to vector<16xi32>
        %parallel_loop3A_167 = arith.addi %parallel_loop3A_122, %parallel_loop3A_166 : vector<16xi32>
        tpu.vector_store_idx %arg9[%parallel_loop3A_167], %parallel_loop3A_139 {add = true} : memref<60000xf32, #tpu.memory_space<vmem>>[vector<16xi32>], vector<16xf32>,
        %parallel_loop3A_168 = arith.constant 10000 : i32
        %parallel_loop3A_169 = vector.broadcast %parallel_loop3A_168 : i32 to vector<16xi32>
        %parallel_loop3A_170 = arith.addi %parallel_loop3A_122, %parallel_loop3A_169 : vector<16xi32>
        tpu.vector_store_idx %arg9[%parallel_loop3A_170], %parallel_loop3A_144 {add = true} : memref<60000xf32, #tpu.memory_space<vmem>>[vector<16xi32>], vector<16xf32>,
        %parallel_loop3A_171 = arith.constant 20000 : i32
        %parallel_loop3A_172 = vector.broadcast %parallel_loop3A_171 : i32 to vector<16xi32>
        %parallel_loop3A_173 = arith.addi %parallel_loop3A_122, %parallel_loop3A_172 : vector<16xi32>
        tpu.vector_store_idx %arg9[%parallel_loop3A_173], %parallel_loop3A_149 {add = true} : memref<60000xf32, #tpu.memory_space<vmem>>[vector<16xi32>], vector<16xf32>,
        %parallel_loop3A_174 = arith.constant 30000 : i32
        %parallel_loop3A_175 = vector.broadcast %parallel_loop3A_174 : i32 to vector<16xi32>
        %parallel_loop3A_176 = arith.addi %parallel_loop3A_122, %parallel_loop3A_175 : vector<16xi32>
        tpu.vector_store_idx %arg9[%parallel_loop3A_176], %parallel_loop3A_154 {add = true} : memref<60000xf32, #tpu.memory_space<vmem>>[vector<16xi32>], vector<16xf32>,
        %parallel_loop3A_177 = arith.constant 40000 : i32
        %parallel_loop3A_178 = vector.broadcast %parallel_loop3A_177 : i32 to vector<16xi32>
        %parallel_loop3A_179 = arith.addi %parallel_loop3A_122, %parallel_loop3A_178 : vector<16xi32>
        tpu.vector_store_idx %arg9[%parallel_loop3A_179], %parallel_loop3A_159 {add = true} : memref<60000xf32, #tpu.memory_space<vmem>>[vector<16xi32>], vector<16xf32>,
        %parallel_loop3A_180 = arith.constant 50000 : i32
        %parallel_loop3A_181 = vector.broadcast %parallel_loop3A_180 : i32 to vector<16xi32>
        %parallel_loop3A_182 = arith.addi %parallel_loop3A_122, %parallel_loop3A_181 : vector<16xi32>
        tpu.vector_store_idx %arg9[%parallel_loop3A_182], %parallel_loop3A_164 {add = true} : memref<60000xf32, #tpu.memory_space<vmem>>[vector<16xi32>], vector<16xf32>,
      } {sc.loop_unroll_factor = 1 : i64, sc.parallel_access}
      %scan3A_113 = arith.constant 0 : i32
      scf.yield %scan3A_113 : i32
    }
    %scan3A_53 = arith.constant 67 : i32
    %mul3A_54 = arith.constant 6 : i32
    %mul3A_55 = arith.muli %scan3A_1, %mul3A_54 : i32
    %add3A_56 = arith.constant 0 : i32
    %add3A_57 = arith.addi %mul3A_55, %add3A_56 : i32
    "tpu.region"() ({
      %run_scoped3A = tpu.sem_alloc : memref<!tpu.dma_semaphore, #tpu.memory_space<semaphore_mem>>
      %dma_start3A_80 = arith.constant 0 : i32
      %dma_start3A_81 = tpu.memref_slice %arg9[%dma_start3A_80] : memref<60000xf32, #tpu.memory_space<vmem>> -> memref<10000xf32, #tpu.memory_space<vmem>>
      %dma_start3A_82 = arith.constant 0 : i32
      %dma_start3A_83 = tpu.memref_slice %arg5[%add3A_57, %add3A, %dma_start3A_82] : memref<6x32x10000xf32, #tpu.memory_space<hbm>> -> memref<1x1x10000xf32, #tpu.memory_space<hbm>>
      %dma_start3A_84 = tpu.memref_squeeze %dma_start3A_83 : memref<1x1x10000xf32, #tpu.memory_space<hbm>> -> memref<10000xf32, #tpu.memory_space<hbm>>
      %dma_start3A_85 = arith.constant 0 : i32
      %dma_start3A_86 = tpu.memref_slice %arg5[%add3A_57, %add3A, %dma_start3A_85] : memref<6x32x10000xf32, #tpu.memory_space<hbm>> -> memref<1x1x10000xf32, #tpu.memory_space<hbm>>
      %dma_start3A_87 = tpu.memref_squeeze %dma_start3A_86 : memref<1x1x10000xf32, #tpu.memory_space<hbm>> -> memref<10000xf32, #tpu.memory_space<hbm>>
      %dma_start3A_88 = arith.constant 0 : i32
      %dma_start3A_89 = tpu.memref_slice %arg9[%dma_start3A_88] : memref<60000xf32, #tpu.memory_space<vmem>> -> memref<10000xf32, #tpu.memory_space<vmem>>
      tpu.enqueue_dma source(%dma_start3A_89 : memref<10000xf32, #tpu.memory_space<vmem>>) target(%dma_start3A_87 : memref<10000xf32, #tpu.memory_space<hbm>>) target_semaphore(%run_scoped3A : memref<!tpu.dma_semaphore, #tpu.memory_space<semaphore_mem>>)
      %dma_wait3A = arith.constant 0 : i32
      %dma_wait3A_90 = tpu.memref_slice %arg9[%dma_wait3A] : memref<60000xf32, #tpu.memory_space<vmem>> -> memref<10000xf32, #tpu.memory_space<vmem>>
      %dma_wait3A_91 = arith.constant 0 : i32
      %dma_wait3A_92 = tpu.memref_slice %arg5[%add3A_57, %add3A, %dma_wait3A_91] : memref<6x32x10000xf32, #tpu.memory_space<hbm>> -> memref<1x1x10000xf32, #tpu.memory_space<hbm>>
      %dma_wait3A_93 = tpu.memref_squeeze %dma_wait3A_92 : memref<1x1x10000xf32, #tpu.memory_space<hbm>> -> memref<10000xf32, #tpu.memory_space<hbm>>
      %dma_wait3A_94 = arith.constant 0 : i32
      %dma_wait3A_95 = tpu.memref_slice %arg5[%add3A_57, %add3A, %dma_wait3A_94] : memref<6x32x10000xf32, #tpu.memory_space<hbm>> -> memref<1x1x10000xf32, #tpu.memory_space<hbm>>
      %dma_wait3A_96 = tpu.memref_squeeze %dma_wait3A_95 : memref<1x1x10000xf32, #tpu.memory_space<hbm>> -> memref<10000xf32, #tpu.memory_space<hbm>>
      %dma_wait3A_97 = arith.constant 0 : i32
      %dma_wait3A_98 = tpu.memref_slice %arg9[%dma_wait3A_97] : memref<60000xf32, #tpu.memory_space<vmem>> -> memref<10000xf32, #tpu.memory_space<vmem>>
      tpu.wait_dma2 semaphore(%run_scoped3A : memref<!tpu.dma_semaphore, #tpu.memory_space<semaphore_mem>>) src(%dma_wait3A_98 : memref<10000xf32, #tpu.memory_space<vmem>>) dst(%dma_wait3A_96 : memref<10000xf32, #tpu.memory_space<hbm>>)
      tpu.yield
    }) : () -> ()
    %mul3A_58 = arith.constant 6 : i32
    %mul3A_59 = arith.muli %scan3A_1, %mul3A_58 : i32
    %add3A_60 = arith.constant 1 : i32
    %add3A_61 = arith.addi %mul3A_59, %add3A_60 : i32
    "tpu.region"() ({
      %run_scoped3A = tpu.sem_alloc : memref<!tpu.dma_semaphore, #tpu.memory_space<semaphore_mem>>
      %dma_start3A_80 = arith.constant 10000 : i32
      %dma_start3A_81 = tpu.memref_slice %arg9[%dma_start3A_80] : memref<60000xf32, #tpu.memory_space<vmem>> -> memref<10000xf32, #tpu.memory_space<vmem>>
      %dma_start3A_82 = arith.constant 0 : i32
      %dma_start3A_83 = tpu.memref_slice %arg5[%add3A_61, %add3A, %dma_start3A_82] : memref<6x32x10000xf32, #tpu.memory_space<hbm>> -> memref<1x1x10000xf32, #tpu.memory_space<hbm>>
      %dma_start3A_84 = tpu.memref_squeeze %dma_start3A_83 : memref<1x1x10000xf32, #tpu.memory_space<hbm>> -> memref<10000xf32, #tpu.memory_space<hbm>>
      %dma_start3A_85 = arith.constant 0 : i32
      %dma_start3A_86 = tpu.memref_slice %arg5[%add3A_61, %add3A, %dma_start3A_85] : memref<6x32x10000xf32, #tpu.memory_space<hbm>> -> memref<1x1x10000xf32, #tpu.memory_space<hbm>>
      %dma_start3A_87 = tpu.memref_squeeze %dma_start3A_86 : memref<1x1x10000xf32, #tpu.memory_space<hbm>> -> memref<10000xf32, #tpu.memory_space<hbm>>
      %dma_start3A_88 = arith.constant 10000 : i32
      %dma_start3A_89 = tpu.memref_slice %arg9[%dma_start3A_88] : memref<60000xf32, #tpu.memory_space<vmem>> -> memref<10000xf32, #tpu.memory_space<vmem>>
      tpu.enqueue_dma source(%dma_start3A_89 : memref<10000xf32, #tpu.memory_space<vmem>>) target(%dma_start3A_87 : memref<10000xf32, #tpu.memory_space<hbm>>) target_semaphore(%run_scoped3A : memref<!tpu.dma_semaphore, #tpu.memory_space<semaphore_mem>>)
      %dma_wait3A = arith.constant 10000 : i32
      %dma_wait3A_90 = tpu.memref_slice %arg9[%dma_wait3A] : memref<60000xf32, #tpu.memory_space<vmem>> -> memref<10000xf32, #tpu.memory_space<vmem>>
      %dma_wait3A_91 = arith.constant 0 : i32
      %dma_wait3A_92 = tpu.memref_slice %arg5[%add3A_61, %add3A, %dma_wait3A_91] : memref<6x32x10000xf32, #tpu.memory_space<hbm>> -> memref<1x1x10000xf32, #tpu.memory_space<hbm>>
      %dma_wait3A_93 = tpu.memref_squeeze %dma_wait3A_92 : memref<1x1x10000xf32, #tpu.memory_space<hbm>> -> memref<10000xf32, #tpu.memory_space<hbm>>
      %dma_wait3A_94 = arith.constant 0 : i32
      %dma_wait3A_95 = tpu.memref_slice %arg5[%add3A_61, %add3A, %dma_wait3A_94] : memref<6x32x10000xf32, #tpu.memory_space<hbm>> -> memref<1x1x10000xf32, #tpu.memory_space<hbm>>
      %dma_wait3A_96 = tpu.memref_squeeze %dma_wait3A_95 : memref<1x1x10000xf32, #tpu.memory_space<hbm>> -> memref<10000xf32, #tpu.memory_space<hbm>>
      %dma_wait3A_97 = arith.constant 10000 : i32
      %dma_wait3A_98 = tpu.memref_slice %arg9[%dma_wait3A_97] : memref<60000xf32, #tpu.memory_space<vmem>> -> memref<10000xf32, #tpu.memory_space<vmem>>
      tpu.wait_dma2 semaphore(%run_scoped3A : memref<!tpu.dma_semaphore, #tpu.memory_space<semaphore_mem>>) src(%dma_wait3A_98 : memref<10000xf32, #tpu.memory_space<vmem>>) dst(%dma_wait3A_96 : memref<10000xf32, #tpu.memory_space<hbm>>)
      tpu.yield
    }) : () -> ()
    %mul3A_62 = arith.constant 6 : i32
    %mul3A_63 = arith.muli %scan3A_1, %mul3A_62 : i32
    %add3A_64 = arith.constant 2 : i32
    %add3A_65 = arith.addi %mul3A_63, %add3A_64 : i32
    "tpu.region"() ({
      %run_scoped3A = tpu.sem_alloc : memref<!tpu.dma_semaphore, #tpu.memory_space<semaphore_mem>>
      %dma_start3A_80 = arith.constant 20000 : i32
      %dma_start3A_81 = tpu.memref_slice %arg9[%dma_start3A_80] : memref<60000xf32, #tpu.memory_space<vmem>> -> memref<10000xf32, #tpu.memory_space<vmem>>
      %dma_start3A_82 = arith.constant 0 : i32
      %dma_start3A_83 = tpu.memref_slice %arg5[%add3A_65, %add3A, %dma_start3A_82] : memref<6x32x10000xf32, #tpu.memory_space<hbm>> -> memref<1x1x10000xf32, #tpu.memory_space<hbm>>
      %dma_start3A_84 = tpu.memref_squeeze %dma_start3A_83 : memref<1x1x10000xf32, #tpu.memory_space<hbm>> -> memref<10000xf32, #tpu.memory_space<hbm>>
      %dma_start3A_85 = arith.constant 0 : i32
      %dma_start3A_86 = tpu.memref_slice %arg5[%add3A_65, %add3A, %dma_start3A_85] : memref<6x32x10000xf32, #tpu.memory_space<hbm>> -> memref<1x1x10000xf32, #tpu.memory_space<hbm>>
      %dma_start3A_87 = tpu.memref_squeeze %dma_start3A_86 : memref<1x1x10000xf32, #tpu.memory_space<hbm>> -> memref<10000xf32, #tpu.memory_space<hbm>>
      %dma_start3A_88 = arith.constant 20000 : i32
      %dma_start3A_89 = tpu.memref_slice %arg9[%dma_start3A_88] : memref<60000xf32, #tpu.memory_space<vmem>> -> memref<10000xf32, #tpu.memory_space<vmem>>
      tpu.enqueue_dma source(%dma_start3A_89 : memref<10000xf32, #tpu.memory_space<vmem>>) target(%dma_start3A_87 : memref<10000xf32, #tpu.memory_space<hbm>>) target_semaphore(%run_scoped3A : memref<!tpu.dma_semaphore, #tpu.memory_space<semaphore_mem>>)
      %dma_wait3A = arith.constant 20000 : i32
      %dma_wait3A_90 = tpu.memref_slice %arg9[%dma_wait3A] : memref<60000xf32, #tpu.memory_space<vmem>> -> memref<10000xf32, #tpu.memory_space<vmem>>
      %dma_wait3A_91 = arith.constant 0 : i32
      %dma_wait3A_92 = tpu.memref_slice %arg5[%add3A_65, %add3A, %dma_wait3A_91] : memref<6x32x10000xf32, #tpu.memory_space<hbm>> -> memref<1x1x10000xf32, #tpu.memory_space<hbm>>
      %dma_wait3A_93 = tpu.memref_squeeze %dma_wait3A_92 : memref<1x1x10000xf32, #tpu.memory_space<hbm>> -> memref<10000xf32, #tpu.memory_space<hbm>>
      %dma_wait3A_94 = arith.constant 0 : i32
      %dma_wait3A_95 = tpu.memref_slice %arg5[%add3A_65, %add3A, %dma_wait3A_94] : memref<6x32x10000xf32, #tpu.memory_space<hbm>> -> memref<1x1x10000xf32, #tpu.memory_space<hbm>>
      %dma_wait3A_96 = tpu.memref_squeeze %dma_wait3A_95 : memref<1x1x10000xf32, #tpu.memory_space<hbm>> -> memref<10000xf32, #tpu.memory_space<hbm>>
      %dma_wait3A_97 = arith.constant 20000 : i32
      %dma_wait3A_98 = tpu.memref_slice %arg9[%dma_wait3A_97] : memref<60000xf32, #tpu.memory_space<vmem>> -> memref<10000xf32, #tpu.memory_space<vmem>>
      tpu.wait_dma2 semaphore(%run_scoped3A : memref<!tpu.dma_semaphore, #tpu.memory_space<semaphore_mem>>) src(%dma_wait3A_98 : memref<10000xf32, #tpu.memory_space<vmem>>) dst(%dma_wait3A_96 : memref<10000xf32, #tpu.memory_space<hbm>>)
      tpu.yield
    }) : () -> ()
    %mul3A_66 = arith.constant 6 : i32
    %mul3A_67 = arith.muli %scan3A_1, %mul3A_66 : i32
    %add3A_68 = arith.constant 3 : i32
    %add3A_69 = arith.addi %mul3A_67, %add3A_68 : i32
    "tpu.region"() ({
      %run_scoped3A = tpu.sem_alloc : memref<!tpu.dma_semaphore, #tpu.memory_space<semaphore_mem>>
      %dma_start3A_80 = arith.constant 30000 : i32
      %dma_start3A_81 = tpu.memref_slice %arg9[%dma_start3A_80] : memref<60000xf32, #tpu.memory_space<vmem>> -> memref<10000xf32, #tpu.memory_space<vmem>>
      %dma_start3A_82 = arith.constant 0 : i32
      %dma_start3A_83 = tpu.memref_slice %arg5[%add3A_69, %add3A, %dma_start3A_82] : memref<6x32x10000xf32, #tpu.memory_space<hbm>> -> memref<1x1x10000xf32, #tpu.memory_space<hbm>>
      %dma_start3A_84 = tpu.memref_squeeze %dma_start3A_83 : memref<1x1x10000xf32, #tpu.memory_space<hbm>> -> memref<10000xf32, #tpu.memory_space<hbm>>
      %dma_start3A_85 = arith.constant 0 : i32
      %dma_start3A_86 = tpu.memref_slice %arg5[%add3A_69, %add3A, %dma_start3A_85] : memref<6x32x10000xf32, #tpu.memory_space<hbm>> -> memref<1x1x10000xf32, #tpu.memory_space<hbm>>
      %dma_start3A_87 = tpu.memref_squeeze %dma_start3A_86 : memref<1x1x10000xf32, #tpu.memory_space<hbm>> -> memref<10000xf32, #tpu.memory_space<hbm>>
      %dma_start3A_88 = arith.constant 30000 : i32
      %dma_start3A_89 = tpu.memref_slice %arg9[%dma_start3A_88] : memref<60000xf32, #tpu.memory_space<vmem>> -> memref<10000xf32, #tpu.memory_space<vmem>>
      tpu.enqueue_dma source(%dma_start3A_89 : memref<10000xf32, #tpu.memory_space<vmem>>) target(%dma_start3A_87 : memref<10000xf32, #tpu.memory_space<hbm>>) target_semaphore(%run_scoped3A : memref<!tpu.dma_semaphore, #tpu.memory_space<semaphore_mem>>)
      %dma_wait3A = arith.constant 30000 : i32
      %dma_wait3A_90 = tpu.memref_slice %arg9[%dma_wait3A] : memref<60000xf32, #tpu.memory_space<vmem>> -> memref<10000xf32, #tpu.memory_space<vmem>>
      %dma_wait3A_91 = arith.constant 0 : i32
      %dma_wait3A_92 = tpu.memref_slice %arg5[%add3A_69, %add3A, %dma_wait3A_91] : memref<6x32x10000xf32, #tpu.memory_space<hbm>> -> memref<1x1x10000xf32, #tpu.memory_space<hbm>>
      %dma_wait3A_93 = tpu.memref_squeeze %dma_wait3A_92 : memref<1x1x10000xf32, #tpu.memory_space<hbm>> -> memref<10000xf32, #tpu.memory_space<hbm>>
      %dma_wait3A_94 = arith.constant 0 : i32
      %dma_wait3A_95 = tpu.memref_slice %arg5[%add3A_69, %add3A, %dma_wait3A_94] : memref<6x32x10000xf32, #tpu.memory_space<hbm>> -> memref<1x1x10000xf32, #tpu.memory_space<hbm>>
      %dma_wait3A_96 = tpu.memref_squeeze %dma_wait3A_95 : memref<1x1x10000xf32, #tpu.memory_space<hbm>> -> memref<10000xf32, #tpu.memory_space<hbm>>
      %dma_wait3A_97 = arith.constant 30000 : i32
      %dma_wait3A_98 = tpu.memref_slice %arg9[%dma_wait3A_97] : memref<60000xf32, #tpu.memory_space<vmem>> -> memref<10000xf32, #tpu.memory_space<vmem>>
      tpu.wait_dma2 semaphore(%run_scoped3A : memref<!tpu.dma_semaphore, #tpu.memory_space<semaphore_mem>>) src(%dma_wait3A_98 : memref<10000xf32, #tpu.memory_space<vmem>>) dst(%dma_wait3A_96 : memref<10000xf32, #tpu.memory_space<hbm>>)
      tpu.yield
    }) : () -> ()
    %mul3A_70 = arith.constant 6 : i32
    %mul3A_71 = arith.muli %scan3A_1, %mul3A_70 : i32
    %add3A_72 = arith.constant 4 : i32
    %add3A_73 = arith.addi %mul3A_71, %add3A_72 : i32
    "tpu.region"() ({
      %run_scoped3A = tpu.sem_alloc : memref<!tpu.dma_semaphore, #tpu.memory_space<semaphore_mem>>
      %dma_start3A_80 = arith.constant 40000 : i32
      %dma_start3A_81 = tpu.memref_slice %arg9[%dma_start3A_80] : memref<60000xf32, #tpu.memory_space<vmem>> -> memref<10000xf32, #tpu.memory_space<vmem>>
      %dma_start3A_82 = arith.constant 0 : i32
      %dma_start3A_83 = tpu.memref_slice %arg5[%add3A_73, %add3A, %dma_start3A_82] : memref<6x32x10000xf32, #tpu.memory_space<hbm>> -> memref<1x1x10000xf32, #tpu.memory_space<hbm>>
      %dma_start3A_84 = tpu.memref_squeeze %dma_start3A_83 : memref<1x1x10000xf32, #tpu.memory_space<hbm>> -> memref<10000xf32, #tpu.memory_space<hbm>>
      %dma_start3A_85 = arith.constant 0 : i32
      %dma_start3A_86 = tpu.memref_slice %arg5[%add3A_73, %add3A, %dma_start3A_85] : memref<6x32x10000xf32, #tpu.memory_space<hbm>> -> memref<1x1x10000xf32, #tpu.memory_space<hbm>>
      %dma_start3A_87 = tpu.memref_squeeze %dma_start3A_86 : memref<1x1x10000xf32, #tpu.memory_space<hbm>> -> memref<10000xf32, #tpu.memory_space<hbm>>
      %dma_start3A_88 = arith.constant 40000 : i32
      %dma_start3A_89 = tpu.memref_slice %arg9[%dma_start3A_88] : memref<60000xf32, #tpu.memory_space<vmem>> -> memref<10000xf32, #tpu.memory_space<vmem>>
      tpu.enqueue_dma source(%dma_start3A_89 : memref<10000xf32, #tpu.memory_space<vmem>>) target(%dma_start3A_87 : memref<10000xf32, #tpu.memory_space<hbm>>) target_semaphore(%run_scoped3A : memref<!tpu.dma_semaphore, #tpu.memory_space<semaphore_mem>>)
      %dma_wait3A = arith.constant 40000 : i32
      %dma_wait3A_90 = tpu.memref_slice %arg9[%dma_wait3A] : memref<60000xf32, #tpu.memory_space<vmem>> -> memref<10000xf32, #tpu.memory_space<vmem>>
      %dma_wait3A_91 = arith.constant 0 : i32
      %dma_wait3A_92 = tpu.memref_slice %arg5[%add3A_73, %add3A, %dma_wait3A_91] : memref<6x32x10000xf32, #tpu.memory_space<hbm>> -> memref<1x1x10000xf32, #tpu.memory_space<hbm>>
      %dma_wait3A_93 = tpu.memref_squeeze %dma_wait3A_92 : memref<1x1x10000xf32, #tpu.memory_space<hbm>> -> memref<10000xf32, #tpu.memory_space<hbm>>
      %dma_wait3A_94 = arith.constant 0 : i32
      %dma_wait3A_95 = tpu.memref_slice %arg5[%add3A_73, %add3A, %dma_wait3A_94] : memref<6x32x10000xf32, #tpu.memory_space<hbm>> -> memref<1x1x10000xf32, #tpu.memory_space<hbm>>
      %dma_wait3A_96 = tpu.memref_squeeze %dma_wait3A_95 : memref<1x1x10000xf32, #tpu.memory_space<hbm>> -> memref<10000xf32, #tpu.memory_space<hbm>>
      %dma_wait3A_97 = arith.constant 40000 : i32
      %dma_wait3A_98 = tpu.memref_slice %arg9[%dma_wait3A_97] : memref<60000xf32, #tpu.memory_space<vmem>> -> memref<10000xf32, #tpu.memory_space<vmem>>
      tpu.wait_dma2 semaphore(%run_scoped3A : memref<!tpu.dma_semaphore, #tpu.memory_space<semaphore_mem>>) src(%dma_wait3A_98 : memref<10000xf32, #tpu.memory_space<vmem>>) dst(%dma_wait3A_96 : memref<10000xf32, #tpu.memory_space<hbm>>)
      tpu.yield
    }) : () -> ()
    %mul3A_74 = arith.constant 6 : i32
    %mul3A_75 = arith.muli %scan3A_1, %mul3A_74 : i32
    %add3A_76 = arith.constant 5 : i32
    %add3A_77 = arith.addi %mul3A_75, %add3A_76 : i32
    "tpu.region"() ({
      %run_scoped3A = tpu.sem_alloc : memref<!tpu.dma_semaphore, #tpu.memory_space<semaphore_mem>>
      %dma_start3A_80 = arith.constant 50000 : i32
      %dma_start3A_81 = tpu.memref_slice %arg9[%dma_start3A_80] : memref<60000xf32, #tpu.memory_space<vmem>> -> memref<10000xf32, #tpu.memory_space<vmem>>
      %dma_start3A_82 = arith.constant 0 : i32
      %dma_start3A_83 = tpu.memref_slice %arg5[%add3A_77, %add3A, %dma_start3A_82] : memref<6x32x10000xf32, #tpu.memory_space<hbm>> -> memref<1x1x10000xf32, #tpu.memory_space<hbm>>
      %dma_start3A_84 = tpu.memref_squeeze %dma_start3A_83 : memref<1x1x10000xf32, #tpu.memory_space<hbm>> -> memref<10000xf32, #tpu.memory_space<hbm>>
      %dma_start3A_85 = arith.constant 0 : i32
      %dma_start3A_86 = tpu.memref_slice %arg5[%add3A_77, %add3A, %dma_start3A_85] : memref<6x32x10000xf32, #tpu.memory_space<hbm>> -> memref<1x1x10000xf32, #tpu.memory_space<hbm>>
      %dma_start3A_87 = tpu.memref_squeeze %dma_start3A_86 : memref<1x1x10000xf32, #tpu.memory_space<hbm>> -> memref<10000xf32, #tpu.memory_space<hbm>>
      %dma_start3A_88 = arith.constant 50000 : i32
      %dma_start3A_89 = tpu.memref_slice %arg9[%dma_start3A_88] : memref<60000xf32, #tpu.memory_space<vmem>> -> memref<10000xf32, #tpu.memory_space<vmem>>
      tpu.enqueue_dma source(%dma_start3A_89 : memref<10000xf32, #tpu.memory_space<vmem>>) target(%dma_start3A_87 : memref<10000xf32, #tpu.memory_space<hbm>>) target_semaphore(%run_scoped3A : memref<!tpu.dma_semaphore, #tpu.memory_space<semaphore_mem>>)
      %dma_wait3A = arith.constant 50000 : i32
      %dma_wait3A_90 = tpu.memref_slice %arg9[%dma_wait3A] : memref<60000xf32, #tpu.memory_space<vmem>> -> memref<10000xf32, #tpu.memory_space<vmem>>
      %dma_wait3A_91 = arith.constant 0 : i32
      %dma_wait3A_92 = tpu.memref_slice %arg5[%add3A_77, %add3A, %dma_wait3A_91] : memref<6x32x10000xf32, #tpu.memory_space<hbm>> -> memref<1x1x10000xf32, #tpu.memory_space<hbm>>
      %dma_wait3A_93 = tpu.memref_squeeze %dma_wait3A_92 : memref<1x1x10000xf32, #tpu.memory_space<hbm>> -> memref<10000xf32, #tpu.memory_space<hbm>>
      %dma_wait3A_94 = arith.constant 0 : i32
      %dma_wait3A_95 = tpu.memref_slice %arg5[%add3A_77, %add3A, %dma_wait3A_94] : memref<6x32x10000xf32, #tpu.memory_space<hbm>> -> memref<1x1x10000xf32, #tpu.memory_space<hbm>>
      %dma_wait3A_96 = tpu.memref_squeeze %dma_wait3A_95 : memref<1x1x10000xf32, #tpu.memory_space<hbm>> -> memref<10000xf32, #tpu.memory_space<hbm>>
      %dma_wait3A_97 = arith.constant 50000 : i32
      %dma_wait3A_98 = tpu.memref_slice %arg9[%dma_wait3A_97] : memref<60000xf32, #tpu.memory_space<vmem>> -> memref<10000xf32, #tpu.memory_space<vmem>>
      tpu.wait_dma2 semaphore(%run_scoped3A : memref<!tpu.dma_semaphore, #tpu.memory_space<semaphore_mem>>) src(%dma_wait3A_98 : memref<10000xf32, #tpu.memory_space<vmem>>) dst(%dma_wait3A_96 : memref<10000xf32, #tpu.memory_space<hbm>>)
      tpu.yield
    }) : () -> ()
    %scan3A_78 = arith.constant 0 : i32
    %scan3A_79 = arith.constant 1 : i32
    return
  }
}

module attributes {stable_mosaic.version = 14 : i64} {
  func.func @_mm_body(%arg0: i32, %arg1: memref<1x10000x256xf32, #tpu.memory_space<vmem>>, %arg2: memref<32x256xf32, #tpu.memory_space<vmem>>, %arg3: memref<32x256xf32, #tpu.memory_space<vmem>>, %arg4: memref<1x32xf32, #tpu.memory_space<vmem>>, %arg5: memref<1x10000x32xf32, #tpu.memory_space<vmem>>, %arg6: memref<1x32x10000xf32, #tpu.memory_space<vmem>>) attributes {dimension_semantics = [#tpu.dimension_semantics<arbitrary>], iteration_bounds = array<i64: 6>, scalar_prefetch = 0 : i64, scratch_operands = 0 : i64, tpu.core_type = #tpu.core_type<tc>, window_params = [{transform_indices = @transform_0, window_bounds = array<i64: 1, 10000, 256>}, {pipeline_mode = #tpu.pipeline_mode<synchronous>, transform_indices = @transform_1, window_bounds = array<i64: 32, 256>}, {pipeline_mode = #tpu.pipeline_mode<synchronous>, transform_indices = @transform_2, window_bounds = array<i64: 32, 256>}, {pipeline_mode = #tpu.pipeline_mode<synchronous>, transform_indices = @transform_3, window_bounds = array<i64: 1, 32>}, {transform_indices = @transform_4, window_bounds = array<i64: 1, 10000, 32>}, {transform_indices = @transform_5, window_bounds = array<i64: 1, 32, 10000>}]} {
    %get3A = arith.constant 0 : index
    %get3A_0 = arith.constant 0 : index
    %get3A_1 = arith.constant 0 : index
    %get3A_2 = vector.load %arg1[%get3A, %get3A_0, %get3A_1] : memref<1x10000x256xf32, #tpu.memory_space<vmem>>, vector<1x10000x256xf32>
    %get3A_3 = vector.shape_cast %get3A_2 : vector<1x10000x256xf32> to vector<10000x256xf32>
    %get3A_4 = arith.constant 0 : index
    %get3A_5 = arith.constant 0 : index
    %get3A_6 = vector.load %arg2[%get3A_4, %get3A_5] : memref<32x256xf32, #tpu.memory_space<vmem>>, vector<32x256xf32>
    %dot_general3A = arith.constant dense<0.000000e+00> : vector<10000x32xf32>
    %dot_general3A_7 = tpu.matmul %get3A_3, %get3A_6, %dot_general3A {dimension_numbers = #tpu.dot_dimension_numbers<[1], [1], [0], [0], [0, 0, 1, 0], [], []>, transpose_lhs_hint = false} : vector<10000x256xf32>, vector<32x256xf32>, vector<10000x32xf32> -> vector<10000x32xf32>
    %get3A_8 = arith.constant 0 : index
    %get3A_9 = arith.constant 0 : index
    %get3A_10 = vector.load %arg4[%get3A_8, %get3A_9] : memref<1x32xf32, #tpu.memory_space<vmem>>, vector<1x32xf32>
    %add3A = vector.broadcast %get3A_10 : vector<1x32xf32> to vector<10000x32xf32>
    %add3A_11 = arith.addf %dot_general3A_7, %add3A : vector<10000x32xf32>
    %swap3A = arith.constant 0 : index
    %swap3A_12 = arith.constant 0 : index
    %swap3A_13 = arith.constant 0 : index
    %swap3A_14 = vector.load %arg5[%swap3A, %swap3A_12, %swap3A_13] : memref<1x10000x32xf32, #tpu.memory_space<vmem>>, vector<1x10000x32xf32>
    %swap3A_15 = vector.shape_cast %swap3A_14 : vector<1x10000x32xf32> to vector<10000x32xf32>
    %swap3A_16 = vector.shape_cast %add3A_11 : vector<10000x32xf32> to vector<1x10000x32xf32>
    tpu.vector_store %arg5[%swap3A, %swap3A_12, %swap3A_13], %swap3A_16 {strides = array<i32>} : memref<1x10000x32xf32, #tpu.memory_space<vmem>>, vector<1x10000x32xf32>,
    %get3A_17 = arith.constant 0 : index
    %get3A_18 = arith.constant 0 : index
    %get3A_19 = vector.load %arg3[%get3A_17, %get3A_18] : memref<32x256xf32, #tpu.memory_space<vmem>>, vector<32x256xf32>
    %dot_general3A_20 = arith.constant dense<0.000000e+00> : vector<32x10000xf32>
    %dot_general3A_21 = tpu.matmul %get3A_19, %get3A_3, %dot_general3A_20 {dimension_numbers = #tpu.dot_dimension_numbers<[1], [1], [0], [0], [0, 0, 1, 0], [], []>, transpose_lhs_hint = false} : vector<32x256xf32>, vector<10000x256xf32>, vector<32x10000xf32> -> vector<32x10000xf32>
    %swap3A_22 = arith.constant 0 : index
    %swap3A_23 = arith.constant 0 : index
    %swap3A_24 = arith.constant 0 : index
    %swap3A_25 = vector.load %arg6[%swap3A_22, %swap3A_23, %swap3A_24] : memref<1x32x10000xf32, #tpu.memory_space<vmem>>, vector<1x32x10000xf32>
    %swap3A_26 = vector.shape_cast %swap3A_25 : vector<1x32x10000xf32> to vector<32x10000xf32>
    %swap3A_27 = vector.shape_cast %dot_general3A_21 : vector<32x10000xf32> to vector<1x32x10000xf32>
    tpu.vector_store %arg6[%swap3A_22, %swap3A_23, %swap3A_24], %swap3A_27 {strides = array<i32>} : memref<1x32x10000xf32, #tpu.memory_space<vmem>>, vector<1x32x10000xf32>,
    return
  }
  func.func @transform_0(%arg0: i32) -> (i32, i32, i32) {
    %add3A = arith.constant 6 : i32
    %add3A_0 = arith.addi %arg0, %add3A : i32
    %c0_i32 = arith.constant 0 : i32
    %c0_i32_1 = arith.constant 0 : i32
    %c0_i32_2 = arith.constant 0 : i32
    return %add3A_0, %c0_i32, %c0_i32_1 : i32, i32, i32
  }
  func.func @transform_1(%arg0: i32) -> (i32, i32) {
    %c0_i32 = arith.constant 0 : i32
    %c0_i32_0 = arith.constant 0 : i32
    %c0_i32_1 = arith.constant 0 : i32
    return %c0_i32, %c0_i32_0 : i32, i32
  }
  func.func @transform_2(%arg0: i32) -> (i32, i32) {
    %c0_i32 = arith.constant 0 : i32
    %c0_i32_0 = arith.constant 0 : i32
    %c0_i32_1 = arith.constant 0 : i32
    return %c0_i32, %c0_i32_0 : i32, i32
  }
  func.func @transform_3(%arg0: i32) -> (i32, i32) {
    %c0_i32 = arith.constant 0 : i32
    %c0_i32_0 = arith.constant 0 : i32
    %c0_i32_1 = arith.constant 0 : i32
    return %c0_i32, %c0_i32_0 : i32, i32
  }
  func.func @transform_4(%arg0: i32) -> (i32, i32, i32) {
    %c0_i32 = arith.constant 0 : i32
    %c0_i32_0 = arith.constant 0 : i32
    %c0_i32_1 = arith.constant 0 : i32
    return %arg0, %c0_i32, %c0_i32_0 : i32, i32, i32
  }
  func.func @transform_5(%arg0: i32) -> (i32, i32, i32) {
    %c0_i32 = arith.constant 0 : i32
    %c0_i32_0 = arith.constant 0 : i32
    %c0_i32_1 = arith.constant 0 : i32
    return %arg0, %c0_i32, %c0_i32_0 : i32, i32, i32
  }
}

module attributes {stable_mosaic.version = 14 : i64} {
  func.func @_mm_body(%arg0: i32, %arg1: memref<1x10000x256xf32, #tpu.memory_space<vmem>>, %arg2: memref<32x256xf32, #tpu.memory_space<vmem>>, %arg3: memref<32x256xf32, #tpu.memory_space<vmem>>, %arg4: memref<1x32xf32, #tpu.memory_space<vmem>>, %arg5: memref<1x10000x32xf32, #tpu.memory_space<vmem>>, %arg6: memref<1x32x10000xf32, #tpu.memory_space<vmem>>) attributes {dimension_semantics = [#tpu.dimension_semantics<arbitrary>], iteration_bounds = array<i64: 6>, scalar_prefetch = 0 : i64, scratch_operands = 0 : i64, tpu.core_type = #tpu.core_type<tc>, window_params = [{transform_indices = @transform_0, window_bounds = array<i64: 1, 10000, 256>}, {pipeline_mode = #tpu.pipeline_mode<synchronous>, transform_indices = @transform_1, window_bounds = array<i64: 32, 256>}, {pipeline_mode = #tpu.pipeline_mode<synchronous>, transform_indices = @transform_2, window_bounds = array<i64: 32, 256>}, {pipeline_mode = #tpu.pipeline_mode<synchronous>, transform_indices = @transform_3, window_bounds = array<i64: 1, 32>}, {transform_indices = @transform_4, window_bounds = array<i64: 1, 10000, 32>}, {transform_indices = @transform_5, window_bounds = array<i64: 1, 32, 10000>}]} {
    %get3A = arith.constant 0 : index
    %get3A_0 = arith.constant 0 : index
    %get3A_1 = arith.constant 0 : index
    %get3A_2 = vector.load %arg1[%get3A, %get3A_0, %get3A_1] : memref<1x10000x256xf32, #tpu.memory_space<vmem>>, vector<1x10000x256xf32>
    %get3A_3 = vector.shape_cast %get3A_2 : vector<1x10000x256xf32> to vector<10000x256xf32>
    %get3A_4 = arith.constant 0 : index
    %get3A_5 = arith.constant 0 : index
    %get3A_6 = vector.load %arg2[%get3A_4, %get3A_5] : memref<32x256xf32, #tpu.memory_space<vmem>>, vector<32x256xf32>
    %dot_general3A = arith.constant dense<0.000000e+00> : vector<10000x32xf32>
    %dot_general3A_7 = tpu.matmul %get3A_3, %get3A_6, %dot_general3A {dimension_numbers = #tpu.dot_dimension_numbers<[1], [1], [0], [0], [0, 0, 1, 0], [], []>, transpose_lhs_hint = false} : vector<10000x256xf32>, vector<32x256xf32>, vector<10000x32xf32> -> vector<10000x32xf32>
    %get3A_8 = arith.constant 0 : index
    %get3A_9 = arith.constant 0 : index
    %get3A_10 = vector.load %arg4[%get3A_8, %get3A_9] : memref<1x32xf32, #tpu.memory_space<vmem>>, vector<1x32xf32>
    %add3A = vector.broadcast %get3A_10 : vector<1x32xf32> to vector<10000x32xf32>
    %add3A_11 = arith.addf %dot_general3A_7, %add3A : vector<10000x32xf32>
    %swap3A = arith.constant 0 : index
    %swap3A_12 = arith.constant 0 : index
    %swap3A_13 = arith.constant 0 : index
    %swap3A_14 = vector.load %arg5[%swap3A, %swap3A_12, %swap3A_13] : memref<1x10000x32xf32, #tpu.memory_space<vmem>>, vector<1x10000x32xf32>
    %swap3A_15 = vector.shape_cast %swap3A_14 : vector<1x10000x32xf32> to vector<10000x32xf32>
    %swap3A_16 = vector.shape_cast %add3A_11 : vector<10000x32xf32> to vector<1x10000x32xf32>
    tpu.vector_store %arg5[%swap3A, %swap3A_12, %swap3A_13], %swap3A_16 {strides = array<i32>} : memref<1x10000x32xf32, #tpu.memory_space<vmem>>, vector<1x10000x32xf32>,
    %get3A_17 = arith.constant 0 : index
    %get3A_18 = arith.constant 0 : index
    %get3A_19 = vector.load %arg3[%get3A_17, %get3A_18] : memref<32x256xf32, #tpu.memory_space<vmem>>, vector<32x256xf32>
    %dot_general3A_20 = arith.constant dense<0.000000e+00> : vector<32x10000xf32>
    %dot_general3A_21 = tpu.matmul %get3A_19, %get3A_3, %dot_general3A_20 {dimension_numbers = #tpu.dot_dimension_numbers<[1], [1], [0], [0], [0, 0, 1, 0], [], []>, transpose_lhs_hint = false} : vector<32x256xf32>, vector<10000x256xf32>, vector<32x10000xf32> -> vector<32x10000xf32>
    %swap3A_22 = arith.constant 0 : index
    %swap3A_23 = arith.constant 0 : index
    %swap3A_24 = arith.constant 0 : index
    %swap3A_25 = vector.load %arg6[%swap3A_22, %swap3A_23, %swap3A_24] : memref<1x32x10000xf32, #tpu.memory_space<vmem>>, vector<1x32x10000xf32>
    %swap3A_26 = vector.shape_cast %swap3A_25 : vector<1x32x10000xf32> to vector<32x10000xf32>
    %swap3A_27 = vector.shape_cast %dot_general3A_21 : vector<32x10000xf32> to vector<1x32x10000xf32>
    tpu.vector_store %arg6[%swap3A_22, %swap3A_23, %swap3A_24], %swap3A_27 {strides = array<i32>} : memref<1x32x10000xf32, #tpu.memory_space<vmem>>, vector<1x32x10000xf32>,
    return
  }
  func.func @transform_0(%arg0: i32) -> (i32, i32, i32) {
    %add3A = arith.constant 0 : i32
    %add3A_0 = arith.addi %arg0, %add3A : i32
    %c0_i32 = arith.constant 0 : i32
    %c0_i32_1 = arith.constant 0 : i32
    %c0_i32_2 = arith.constant 0 : i32
    return %add3A_0, %c0_i32, %c0_i32_1 : i32, i32, i32
  }
  func.func @transform_1(%arg0: i32) -> (i32, i32) {
    %c0_i32 = arith.constant 0 : i32
    %c0_i32_0 = arith.constant 0 : i32
    %c0_i32_1 = arith.constant 0 : i32
    return %c0_i32, %c0_i32_0 : i32, i32
  }
  func.func @transform_2(%arg0: i32) -> (i32, i32) {
    %c0_i32 = arith.constant 0 : i32
    %c0_i32_0 = arith.constant 0 : i32
    %c0_i32_1 = arith.constant 0 : i32
    return %c0_i32, %c0_i32_0 : i32, i32
  }
  func.func @transform_3(%arg0: i32) -> (i32, i32) {
    %c0_i32 = arith.constant 0 : i32
    %c0_i32_0 = arith.constant 0 : i32
    %c0_i32_1 = arith.constant 0 : i32
    return %c0_i32, %c0_i32_0 : i32, i32
  }
  func.func @transform_4(%arg0: i32) -> (i32, i32, i32) {
    %c0_i32 = arith.constant 0 : i32
    %c0_i32_0 = arith.constant 0 : i32
    %c0_i32_1 = arith.constant 0 : i32
    return %arg0, %c0_i32, %c0_i32_0 : i32, i32, i32
  }
  func.func @transform_5(%arg0: i32) -> (i32, i32, i32) {
    %c0_i32 = arith.constant 0 : i32
    %c0_i32_0 = arith.constant 0 : i32
    %c0_i32_1 = arith.constant 0 : i32
    return %arg0, %c0_i32, %c0_i32_0 : i32, i32, i32
  }
}

module attributes {stable_mosaic.version = 14 : i64} {
  func.func @_add_t_body(%arg0: i32, %arg1: memref<1x10000x32xf32, #tpu.memory_space<vmem>>, %arg2: memref<1x10000x32xf32, #tpu.memory_space<vmem>>, %arg3: memref<1x32x10000xf32, #tpu.memory_space<vmem>>, %arg4: memref<1x32x10000xf32, #tpu.memory_space<vmem>>, %arg5: memref<1x10000x32xf32, #tpu.memory_space<vmem>>) attributes {dimension_semantics = [#tpu.dimension_semantics<arbitrary>], iteration_bounds = array<i64: 12>, scalar_prefetch = 0 : i64, scratch_operands = 0 : i64, tpu.core_type = #tpu.core_type<tc>, window_params = [{transform_indices = @transform_0, window_bounds = array<i64: 1, 10000, 32>}, {transform_indices = @transform_1, window_bounds = array<i64: 1, 10000, 32>}, {transform_indices = @transform_2, window_bounds = array<i64: 1, 32, 10000>}, {transform_indices = @transform_3, window_bounds = array<i64: 1, 32, 10000>}, {transform_indices = @transform_4, window_bounds = array<i64: 1, 10000, 32>}]} {
    %lt3A = arith.constant 6 : i32
    %lt3A_0 = arith.cmpi slt, %arg0, %lt3A : i32
    %convert_element_type3A = arith.extui %lt3A_0 : i1 to i32
    %cond3A = arith.constant 0 : i32
    %cond3A_1 = arith.cmpi ne, %convert_element_type3A, %cond3A : i32
    scf.if %cond3A_1 {
      %get3A = arith.constant 0 : index
      %get3A_6 = arith.constant 0 : index
      %get3A_7 = arith.constant 0 : index
      %get3A_8 = vector.load %arg1[%get3A, %get3A_6, %get3A_7] : memref<1x10000x32xf32, #tpu.memory_space<vmem>>, vector<1x10000x32xf32>
      %get3A_9 = vector.shape_cast %get3A_8 : vector<1x10000x32xf32> to vector<10000x32xf32>
      %get3A_10 = arith.constant 0 : index
      %get3A_11 = arith.constant 0 : index
      %get3A_12 = arith.constant 0 : index
      %get3A_13 = vector.load %arg3[%get3A_10, %get3A_11, %get3A_12] : memref<1x32x10000xf32, #tpu.memory_space<vmem>>, vector<1x32x10000xf32>
      %get3A_14 = vector.shape_cast %get3A_13 : vector<1x32x10000xf32> to vector<32x10000xf32>
      %transpose3A = tpu.transpose %get3A_14, [1, 0] : vector<32x10000xf32> -> vector<10000x32xf32>
      %add3A = arith.addf %get3A_9, %transpose3A : vector<10000x32xf32>
      %swap3A = arith.constant 0 : index
      %swap3A_15 = arith.constant 0 : index
      %swap3A_16 = arith.constant 0 : index
      %swap3A_17 = vector.load %arg5[%swap3A, %swap3A_15, %swap3A_16] : memref<1x10000x32xf32, #tpu.memory_space<vmem>>, vector<1x10000x32xf32>
      %swap3A_18 = vector.shape_cast %swap3A_17 : vector<1x10000x32xf32> to vector<10000x32xf32>
      %swap3A_19 = vector.shape_cast %add3A : vector<10000x32xf32> to vector<1x10000x32xf32>
      tpu.vector_store %arg5[%swap3A, %swap3A_15, %swap3A_16], %swap3A_19 {strides = array<i32>} : memref<1x10000x32xf32, #tpu.memory_space<vmem>>, vector<1x10000x32xf32>,
    } else {
    }
    %ge3A = arith.constant 6 : i32
    %ge3A_2 = arith.cmpi sge, %arg0, %ge3A : i32
    %convert_element_type3A_3 = arith.extui %ge3A_2 : i1 to i32
    %cond3A_4 = arith.constant 0 : i32
    %cond3A_5 = arith.cmpi ne, %convert_element_type3A_3, %cond3A_4 : i32
    scf.if %cond3A_5 {
      %get3A = arith.constant 0 : index
      %get3A_6 = arith.constant 0 : index
      %get3A_7 = arith.constant 0 : index
      %get3A_8 = vector.load %arg2[%get3A, %get3A_6, %get3A_7] : memref<1x10000x32xf32, #tpu.memory_space<vmem>>, vector<1x10000x32xf32>
      %get3A_9 = vector.shape_cast %get3A_8 : vector<1x10000x32xf32> to vector<10000x32xf32>
      %get3A_10 = arith.constant 0 : index
      %get3A_11 = arith.constant 0 : index
      %get3A_12 = arith.constant 0 : index
      %get3A_13 = vector.load %arg4[%get3A_10, %get3A_11, %get3A_12] : memref<1x32x10000xf32, #tpu.memory_space<vmem>>, vector<1x32x10000xf32>
      %get3A_14 = vector.shape_cast %get3A_13 : vector<1x32x10000xf32> to vector<32x10000xf32>
      %transpose3A = tpu.transpose %get3A_14, [1, 0] : vector<32x10000xf32> -> vector<10000x32xf32>
      %add3A = arith.addf %get3A_9, %transpose3A : vector<10000x32xf32>
      %swap3A = arith.constant 0 : index
      %swap3A_15 = arith.constant 0 : index
      %swap3A_16 = arith.constant 0 : index
      %swap3A_17 = vector.load %arg5[%swap3A, %swap3A_15, %swap3A_16] : memref<1x10000x32xf32, #tpu.memory_space<vmem>>, vector<1x10000x32xf32>
      %swap3A_18 = vector.shape_cast %swap3A_17 : vector<1x10000x32xf32> to vector<10000x32xf32>
      %swap3A_19 = vector.shape_cast %add3A : vector<10000x32xf32> to vector<1x10000x32xf32>
      tpu.vector_store %arg5[%swap3A, %swap3A_15, %swap3A_16], %swap3A_19 {strides = array<i32>} : memref<1x10000x32xf32, #tpu.memory_space<vmem>>, vector<1x10000x32xf32>,
    } else {
    }
    return
  }
  func.func @transform_0(%arg0: i32) -> (i32, i32, i32) {
    %min3A = arith.constant 5 : i32
    %min3A_0 = arith.minsi %arg0, %min3A : i32
    %c0_i32 = arith.constant 0 : i32
    %c0_i32_1 = arith.constant 0 : i32
    %c0_i32_2 = arith.constant 0 : i32
    return %min3A_0, %c0_i32, %c0_i32_1 : i32, i32, i32
  }
  func.func @transform_1(%arg0: i32) -> (i32, i32, i32) {
    %sub3A = arith.constant 6 : i32
    %sub3A_0 = arith.subi %arg0, %sub3A : i32
    %max3A = arith.constant 0 : i32
    %max3A_1 = arith.maxsi %sub3A_0, %max3A : i32
    %c0_i32 = arith.constant 0 : i32
    %c0_i32_2 = arith.constant 0 : i32
    %c0_i32_3 = arith.constant 0 : i32
    return %max3A_1, %c0_i32, %c0_i32_2 : i32, i32, i32
  }
  func.func @transform_2(%arg0: i32) -> (i32, i32, i32) {
    %min3A = arith.constant 5 : i32
    %min3A_0 = arith.minsi %arg0, %min3A : i32
    %c0_i32 = arith.constant 0 : i32
    %c0_i32_1 = arith.constant 0 : i32
    %c0_i32_2 = arith.constant 0 : i32
    return %min3A_0, %c0_i32, %c0_i32_1 : i32, i32, i32
  }
  func.func @transform_3(%arg0: i32) -> (i32, i32, i32) {
    %sub3A = arith.constant 6 : i32
    %sub3A_0 = arith.subi %arg0, %sub3A : i32
    %max3A = arith.constant 0 : i32
    %max3A_1 = arith.maxsi %sub3A_0, %max3A : i32
    %c0_i32 = arith.constant 0 : i32
    %c0_i32_2 = arith.constant 0 : i32
    %c0_i32_3 = arith.constant 0 : i32
    return %max3A_1, %c0_i32, %c0_i32_2 : i32, i32, i32
  }
  func.func @transform_4(%arg0: i32) -> (i32, i32, i32) {
    %c0_i32 = arith.constant 0 : i32
    %c0_i32_0 = arith.constant 0 : i32
    %c0_i32_1 = arith.constant 0 : i32
    return %arg0, %c0_i32, %c0_i32_0 : i32, i32, i32
  }
}

</mosaic_0001>

<sc_bundles>
// kernel: kernel.10.cloned.1.call-start
scs
__scs_entry_jumppad:
0x0: {  	(pc) =	sbr.rel $0x88, $3  }
0x1: {  	(tag) =	ssettag $0x0;
	lr =	simm.s32 $0x1  }
0x2: {  	[smem:$0x3F9A] =	sst lr;
	_ =	strace $0xD0000000  }
0x3: {  	_ = 	snop  }
0x4: {  	_ = 	snop  }
0x5: {  	_ = 	snop  }
0x6: {  	_ = 	snop  }
0x7: {  	_ = 	snop  }
__scs_overlays_trampoline_lowered:
0x8: {  	[smem:$0x3FA9] =	sst s0  }
0x9: {  	[smem:$0x3FAA] =	sst s1  }
0xa: {  	[smem:$0x3FAB] =	sst s2  }
0xb: {  	[smem:$0x3FAC] =	sst s3  }
0xc: {  	[smem:$0x3FAD] =	sst s4  }
0xd: {  	[smem:$0x3FAE] =	sst s5  }
0xe: {  	[smem:$0x3FAF] =	sst s6  }
0xf: {  	[smem:$0x3FB0] =	sst s7  }
0x10: {  	[smem:$0x3FB1] =	sst s8  }
0x11: {  	[smem:$0x3FB2] =	sst s9;
	s0 =	simm.s32 @!p0 $0x0  }
0x12: {  	s1 =	sld [smem:$0x3F98];
	s0 =	simm.s32 @p0 $0x1  }
0x13: {  	[smem:$0x3FB3] =	sst s0;
	s0 =	simm.s32 @!p1 $0x0  }
0x14: {  	s2 =	sld [smem:$0x3F97];
	s0 =	simm.s32 @p1 $0x1  }
0x15: {  	[smem:$0x3FB4] =	sst s0;
	s0 =	simm.s32 @!p2 $0x0  }
0x16: {  	s3 =	sld [smem:$0x3FDB];
	s0 =	simm.s32 @p2 $0x1  }
0x17: {  	s4 =	simm.s32 $0x1BF5;
	[smem:$0x3FB6] =	sst s0  }
0x18: {  	s0 =	sld [smem:$0x3F99];
	_ =	swait.ge [sflag:s4], $0x0  }
0x19: {  	s7 =	sld [smem:$0x3F9A]  }
0x1a: {  	s8 =	sadd.s32 $0xFFFFE003, lr  }
0x1b: {  	s9 =	sadd.s32 $0xFFFFFEF7, lr;
	s5 =	simm.s32 $0xFFFFFFFF;
	p2 =	slt.u32 s8, $0xFFFFF086  }
0x1c: {  	p1 =	slt.u32 s9, $0xF7A;
	s5 =	simm.s32 @!p2 $0x0  }
0x1d: {  	s5 =	simm.s32 @p1 $0x1;
	p0 =	seq.s32 s7, s2  }
0x1e: {  	s7 =	smul.u32 @!p0 $0xF7A, s2;
	p2 =	seq.s32 @!p0 s5, $0x0  }
0x1f: {  	s9 =	smul.u32 $0xF7A, s1;
	s8 =	simm.s32 @!p0 $0x1BF5;
	p2 =	por !p2, p0  }
0x20: {  	[sflag:s8] =	ssyncset.s32 @!p0 $0xFFFFF086;
	s6 =	sadd.s32 @!p0 s3, s7;
	s7 =	simm.s32 @!p0 $0x108  }
0x21: {  	s3 =	sadd.s32 s3, s9;
	s6 =	sadd.s32 @!p0 $0x88, s6;
	s7 =	simm.s32 @p2 $0x1082  }
0x22: {  	[simem:s7], [sflag:s8] =	dma.local @!p0 [hbm:s6], $0xF7A  }
0x23: {  	s9 =	sor.u32 $0xD0000000, s2;
	s6 =	simm.s32 $0x108;
	_ =	swait.ge @!p0 [sflag:s8], $0x0  }
0x24: {  	s3 =	sadd.s32 $0x88, s3;
	s6 =	simm.s32 @!p1 $0x1082;
	[sflag:s4] =	ssyncset.s32 $0xFFFFF086  }
0x25: {  	[simem:s6], [sflag:s4] =	dma.local [hbm:s3], $0xF7A  }
0x26: {  	[smem:$0x3F9A] =	sst s1;
	(tag) =	ssettag s2;
	_ =	strace s9  }
0x27: {  	s1 =	sld [smem:$0x3FAA]  }
0x28: {  	s2 =	sld [smem:$0x3FAB]  }
0x29: {  	s4 =	sld [smem:$0x3FAD]  }
0x2a: {  	p0 =	seq.s32 s5, $0x0;
	s5 =	sld [smem:$0x3FAE]  }
0x2b: {  	s6 =	sld [smem:$0x3FAF]  }
0x2c: {  	s7 =	sld [smem:$0x3FB0]  }
0x2d: {  	s3 =	simm.s32 $0x108;
	s8 =	sld [smem:$0x3FB1]  }
0x2e: {  	s3 =	simm.s32 @!p0 $0x1082;
	s9 =	sld [smem:$0x3FB2]  }
0x2f: {  	lr =	sadd.s32 s0, s3;
	s0 =	sld [smem:$0x3FA9]  }
0x30: {  	s3 =	sld [smem:$0x3FAC]  }
0x31: {  	[smem:$0x3FB5] =	sst s10  }
0x32: {  	s10 =	sld [smem:$0x3FB3];
	_ =	sdelay $0x3  }
0x33: {  	p0 =	seq.s32 s10, $0x1;
	s10 =	sld [smem:$0x3FB5];
	_ =	sdelay $0x3  }
0x34: {  	[smem:$0x3FB5] =	sst s10  }
0x35: {  	s10 =	sld [smem:$0x3FB4];
	_ =	sdelay $0x3  }
0x36: {  	p1 =	seq.s32 s10, $0x1;
	s10 =	sld [smem:$0x3FB5];
	_ =	sdelay $0x3  }
0x37: {  	[smem:$0x3FB5] =	sst s10  }
0x38: {  	s10 =	sld [smem:$0x3FB6]  }
0x39: {  	_ = 	snop;
	(pc) =	sbr.ind lr, $3  }
0x3a: {  	_ = 	snop  }
0x3b: {  	_ = 	snop  }
0x3c: {  	p2 =	seq.s32 s10, $0x1;
	s10 =	sld [smem:$0x3FB5]  }
0x3d: {  	_ =	shalt  }
0x3e: {  	_ =	shalt  }
0x3f: {  	_ =	shalt  }
0x40: {  	_ =	shalt  }
0x41: {  	_ =	shalt  }
0x42: {  	_ =	shalt  }
0x43: {  	_ =	shalt  }
0x44: {  	_ =	shalt  }
0x45: {  	_ =	shalt  }
0x46: {  	_ =	shalt  }
0x47: {  	_ =	shalt  }
0x48: {  	_ =	shalt  }
0x49: {  	_ =	shalt  }
0x4a: {  	_ =	shalt  }
0x4b: {  	_ =	shalt  }
0x4c: {  	_ =	shalt  }
0x4d: {  	_ =	shalt  }
0x4e: {  	_ =	shalt  }
0x4f: {  	_ =	shalt  }
0x50: {  	_ =	shalt  }
0x51: {  	_ =	shalt  }
0x52: {  	_ =	shalt  }
0x53: {  	_ =	shalt  }
0x54: {  	_ =	shalt  }
0x55: {  	_ =	shalt  }
0x56: {  	_ =	shalt  }
0x57: {  	_ =	shalt  }
0x58: {  	_ =	shalt  }
0x59: {  	_ =	shalt  }
0x5a: {  	_ =	shalt  }
0x5b: {  	_ =	shalt  }
0x5c: {  	_ =	shalt  }
0x5d: {  	_ =	shalt  }
0x5e: {  	_ =	shalt  }
0x5f: {  	_ =	shalt  }
0x60: {  	_ =	shalt  }
0x61: {  	_ =	shalt  }
0x62: {  	_ =	shalt  }
0x63: {  	_ =	shalt  }
0x64: {  	_ =	shalt  }
0x65: {  	_ =	shalt  }
0x66: {  	_ =	shalt  }
0x67: {  	_ =	shalt  }
0x68: {  	_ =	shalt  }
0x69: {  	_ =	shalt  }
0x6a: {  	_ =	shalt  }
0x6b: {  	_ =	shalt  }
0x6c: {  	_ =	shalt  }
0x6d: {  	_ =	shalt  }
0x6e: {  	_ =	shalt  }
0x6f: {  	_ =	shalt  }
0x70: {  	_ =	shalt  }
0x71: {  	_ =	shalt  }
0x72: {  	_ =	shalt  }
0x73: {  	_ =	shalt  }
0x74: {  	_ =	shalt  }
0x75: {  	_ =	shalt  }
0x76: {  	_ =	shalt  }
0x77: {  	_ =	shalt  }
0x78: {  	_ =	shalt  }
0x79: {  	_ =	shalt  }
0x7a: {  	_ =	shalt  }
0x7b: {  	_ =	shalt  }
0x7c: {  	_ =	shalt  }
0x7d: {  	_ =	shalt  }
0x7e: {  	_ =	shalt  }
0x7f: {  	_ =	shalt  }
0x80: {  	_ =	shalt  }
0x81: {  	_ =	shalt  }
0x82: {  	_ =	shalt  }
0x83: {  	_ =	shalt  }
0x84: {  	_ =	shalt  }
0x85: {  	_ =	shalt  }
0x86: {  	_ =	shalt  }
0x87: {  	_ =	shalt  }
.Lfunc_end0:
.L_simem_size_0:
called_computation.1_lowered:
.L_overlay_start_0:
0x88: {  	s2 =	sld [smem:$0x3FD9]  }
0x89: {  	s3 =	sld [smem:$0x3FFE];
	_ =	sdelay $0x1  }
0x8a: {  	s1 =	srdreg.scid  }
0x8b: {  	s0 =	sand.u32 $0x1, s1  }
0x8c: {  	s17 =	sshll.u32 s0, $0xA;
	s2 =	sadd.s32 s3, s2  }
0x8d: {  	s2 =	sadd.s32 s2, s17  }
0x8e: {  	[smem:$0x3FC1] =	sst s2  }
0x8f: {  	_ = 	snop  }
0x90: {  	s2 =	sld [smem:$0x3FC3];
	(tm) =	ssettm $0x1  }
0x91: {  	s18 =	sld [smem:$0x3FFB];
	_ =	sdelay $0x3  }
0x92: {  	_ =	strace s18  }
0x93: {  	s3 =	sld [smem:$0x3FFC];
	_ =	sdelay $0x3  }
0x94: {  	_ =	strace s3  }
0x95: {  	s3 =	sld [smem:$0x3FFD];
	_ =	sdelay $0x3  }
0x96: {  	_ =	strace s3  }
0x97: {  	_ =	strace $0x8FFFFFFF  }
0x98: {  	s19 =	sld [smem:$0x3FDB];
	_ =	sdelay $0x1  }
0x99: {  	s4 =	simm.s32 $_scs_section_size  }
0x9a: {  	s5 =	simm.s32 $_size__tile_overlayer_lowered;
	s6 =	simm.s32 $_tile_overlayer_lowered  }
0x9b: {  	s22 =	simm.s32 $0x1BFF;
	s21 =	sshll.u32 s6, $0x1;
	s3 =	sadd.s32 s4, s19  }
0x9c: {  	s7 =	simm.s32 $0x0;
	s20 =	sshll.u32 s5, $0x1;
	s5 =	sadd.s32 s21, s3  }
0x9d: {  	[timem:s7], [sflag:s22] =	dma.local [hbm:s5], s20  }
0x9e: {  	_ =	swait.ge [sflag:s22], s20  }
0x9f: {  	s4 =	ssub.s32 $0x0, s20;
	[sflag:s22] =	ssyncset.done $0x0  }
0xa0: {  	[sflag:s22] =	ssyncadd.s32 s4;
	_ =	sdelay $0x1  }
0xa1: {  	s23 =	simm.s32 $0x1B8B  }
0xa2: {  	_ =	swait.ge [sflag:s23], $0x1  }
0xa3: {  	[sflag:s23] =	ssyncset.done $0x0  }
0xa4: {  	s25 =	simm.s32 $0x1B8E;
	s24 =	sld [smem:$0x3FFE];
	[sflag:s23] =	ssyncadd.s32 $0xFFFFFFFF  }
0xa5: {  	s26 =	simm.s32 $execute0_lowered;
	[smem:$0x3FD2] =	sst s25  }
0xa6: {  	s5 =	sshll.u32 s26, $0x1;
	_ =	strace $0x80000046;
	[dreg:$0x1] =	wrdreg $0xFFFFFFFF  }
0xa7: {  	s28 =	simm.s32 $_size_execute0_lowered;
	s3 =	sadd.s32 s3, s5;
	[dreg:$0x0] =	wrdreg $0x0  }
0xa8: {  	s5 =	sshll.u32 s28, $0x1;
	[dreg:$0x2] =	wrdreg s3  }
0xa9: {  	[dreg:$0x3] =	wrdreg s5  }
0xaa: {  	[dreg:$0x4] =	wrdreg $0xC0  }
0xab: {  	_ =	task [dreg:s7], $0x5FFFF  }
0xac: {  	[dreg:$0x1] =	wrdreg $0xFFFFFFFF  }
0xad: {  	[dreg:$0x0] =	wrdreg $0x60  }
0xae: {  	[dreg:$0x2] =	wrdreg s24  }
0xaf: {  	[dreg:$0x3] =	wrdreg s2  }
0xb0: {  	[dreg:$0x4] =	wrdreg $0xA  }
0xb1: {  	_ =	task.clear_ibuf [dreg:s7], $0x5FFFF;
	_ =	strace $0x90000046  }
0xb2: {  	s29 =	simm.s32 $0xA;
	_ =	strace $0x80000048  }
0xb3: {  	_ =	swait.ge [sflag:s29], $0x1  }
0xb4: {  	[sflag:s29] =	ssyncadd.s32 $0xFFFFFFFF  }
0xb5: {  	_ =	strace $0x90000048  }
0xb6: {  	_ =	sfence  }
0xb7: {  	s30 =	sld [smem:$0x0];
	_ =	sdelay $0x2  }
0xb8: {  	s31 =	sshll.u32 s1, $0xD;
	s1 =	sshrl.u32 s1, $0x2  }
0xb9: {  	s3 =	sand.u32 $0x4000, s31;
	s1 =	sadd.s32 s1, s30  }
0xba: {  	s0 =	sor.u32 s3, s0;
	s1 =	sshll.u32 s1, $0x11  }
0xbb: {  	s0 =	sor.u32 s1, s0  }
0xbc: {  	s0 =	sadd.s32 $0x8F2B, s0  }
0xbd: {  	[sflag:s0] =	ssyncadd.remote.s32 $0x1  }
0xbe: {  	_ =	sfence.sel $0xFFFF  }
0xbf: {  	[dreg:$0x0] =	wrdreg $0xFFFFFFFF;
	(pc) =	sbr.abs _section_cstart, $3  }
0xc0: {  	[dreg:$0x1] =	wrdreg $0xFFFFFFFF  }
0xc1: {  	_ =	task.clear_ibuf [dreg:s7], $0x2FFFF;
	_ =	strace $0x9FFFFFFF  }
0xc2: {  	(tm) =	ssettm $0x7FFFFFFF  }
0xc3: {  	_ =	shalt  }
tec
execute0_lowered:
.L_overlay_start_1:
0x0: {  	(tag) =	ssettag $0x1  }
0x1: {  	s1 =	rddreg [dreg:$0x0]  }
0x2: {  	s0 =	srdreg.scid;
	s2 =	rddreg [dreg:$0x1]  }
0x3: {  	s5 =	stileid.u32;
	s3 =	simm.s32 $0x0;
	s18 =	simm.s32 $0x2800  }
0x4: {  	s19 =	simm.s32 $0x2;
	s26 =	simm.s32 $0x1;
	s28 =	simm.s32 $0x11260  }
0x5: {  	s30 =	simm.s32 $0x16080;
	s31 =	simm.s32 $0x18790;
	s0 =	sand.u32 $0x1, s0  }
0x6: {  	s20 =	simm.s32 $0x0;
	[smem:$0x7FF] =	sst s3;
	s4 =	sshll.u32 s0, $0x4  }
0x7: {  	s10 =	sadd.s32 $0xEBC00, s1;
	s0 =	ssub.s32 $0x2, s0;
	s4 =	sor.u32 s5, s4  }
0x8: {  	_ =	strace $0x80000047;
	s6 =	sshrl.u32 s0, $0x1;
	s5 =	smul.u32 $0x2710, s4  }
0x9: {  	s4 =	sadd.s32 $0x126600, s1;
	s1 =	sadd.s32 $0x12BA00, s1;
	s0 =	ssub.s32 s0, s6  }
0xa: {  	s17 =	smax.u32 s0, $0x1;
	s0 =	simm.s32 $0x1AEA0;
	s11 =	sshrl.u32 s5, $0x3  }
0xb: {  	s12 =	sadd.s32 $0x9C40, s11;
	s5 =	sadd.s32 s10, s11;
	s13 =	sadd.s32 $0x13880, s11  }
0xc: {  	s14 =	sadd.s32 $0x1D4C0, s11;
	s15 =	sadd.s32 $0x27100, s11;
	s16 =	sadd.s32 $0x30D40, s11  }
0xd: {  	s11 =	sadd.s32 s1, s11;
	s6 =	sadd.s32 s10, s12;
	s7 =	sadd.s32 s10, s13  }
0xe: {  	s8 =	sadd.s32 s10, s14;
	s9 =	sadd.s32 s10, s15;
	s10 =	sadd.s32 s10, s16  }
0xf: {  	s12 =	sadd.s32 s1, s12;
	s13 =	sadd.s32 s1, s13;
	s14 =	sadd.s32 s1, s14  }
0x10: {  	v0 =	vimm.f32 $0.0e+00;
	s15 =	sadd.s32 s1, s15;
	s16 =	sadd.s32 s1, s16;
	s1 =	simm.s32 $0x1D5B0  }
.LBB2_1:
0x11: {  	[tilespmem:s18], [sflag:$0x2] =	stream.linear.gather [hbm4b:s5+s3], $0x2710, $0x38;
	[tilespmem:$0x1FCC0] =	vst v63  }
0x12: {  	_ =	swait.ge [sflag:s19], $0x2710  }
0x13: {  	[sflag:s19] =	ssyncset.done $0x0  }
0x14: {  	s21 =	simm.s32 $0x4F10;
	[sflag:s19] =	ssyncadd.s32 $0xFFFFD8F0  }
0x15: {  	[tilespmem:s21], [sflag:$0x2] =	stream.linear.gather [hbm4b:s6+s3], $0x2710, $0x38;
	[tilespmem:$0x1FCC0] =	vst v63  }
0x16: {  	_ =	swait.ge [sflag:s19], $0x2710  }
0x17: {  	[sflag:s19] =	ssyncset.done $0x0  }
0x18: {  	s23 =	simm.s32 $0x7620;
	[sflag:s19] =	ssyncadd.s32 $0xFFFFD8F0  }
0x19: {  	[tilespmem:s23], [sflag:$0x2] =	stream.linear.gather [hbm4b:s7+s3], $0x2710, $0x38;
	[tilespmem:$0x1FCC0] =	vst v63  }
0x1a: {  	_ =	swait.ge [sflag:s19], $0x2710  }
0x1b: {  	[sflag:s19] =	ssyncset.done $0x0  }
0x1c: {  	s24 =	simm.s32 $0x9D30;
	[sflag:s19] =	ssyncadd.s32 $0xFFFFD8F0  }
0x1d: {  	[tilespmem:s24], [sflag:$0x2] =	stream.linear.gather [hbm4b:s8+s3], $0x2710, $0x38;
	[tilespmem:$0x1FCC0] =	vst v63  }
0x1e: {  	_ =	swait.ge [sflag:s19], $0x2710  }
0x1f: {  	[sflag:s19] =	ssyncset.done $0x0  }
0x20: {  	s25 =	simm.s32 $0xC440;
	[sflag:s19] =	ssyncadd.s32 $0xFFFFD8F0  }
0x21: {  	[tilespmem:s25], [sflag:$0x2] =	stream.linear.gather [hbm4b:s9+s3], $0x2710, $0x38;
	[tilespmem:$0x1FCC0] =	vst v63  }
0x22: {  	_ =	swait.ge [sflag:s19], $0x2710  }
0x23: {  	[sflag:s19] =	ssyncset.done $0x0  }
0x24: {  	s29 =	simm.s32 $0xEB50;
	[sflag:s19] =	ssyncadd.s32 $0xFFFFD8F0  }
0x25: {  	[tilespmem:s29], [sflag:$0x2] =	stream.linear.gather [hbm4b:s10+s3], $0x2710, $0x38;
	[tilespmem:$0x1FCC0] =	vst v63  }
0x26: {  	_ =	swait.ge [sflag:s19], $0x2710  }
0x27: {  	[sflag:s19] =	ssyncset.done $0x0  }
0x28: {  	s22 =	simm.s32 $0x0;
	s21 =	simm.s32 $0x40;
	[sflag:s19] =	ssyncadd.s32 $0xFFFFD8F0  }
.LBB2_2:
0x29: {  	p0 =	sne.s32 s21, $0x3A940;
	[tilespmem:s22+$0x11260] =	vst v0;
	s22 =	smov.u32 s21;
	s21 =	sadd.s32 $0x40, s21  }
.Ltmp0:
0x2a: {  	(pc) =	sbr.rel @p0 .LBB2_2-.Ltmp0, $2  }
0x2b: {  	_ =	sdelay $0x2  }
0x2c: {  	s22 =	sshra.s32 s22, $0x2  }
0x2d: {  	[tilespmem:s22+$0x11260] =	vst v0;
	s21 =	simm.s32 $0x0  }
0x2e: {  	[tilespmem:s21], [sflag:$0x1] =	stream.linear.gather [hbm4b:s4+s21], $0xA00, $0x38;
	[tilespmem:$0x1FCC0] =	vst v63  }
0x2f: {  	s29 =	simm.s32 $0x1400;
	p0 =	por $0x0, $0x0  }
0x30: {  	[tilespmem:s29], [sflag:$0x1] =	stream.linear.gather [hbm4b:s2+s21], $0xA00, $0x38;
	[tilespmem:$0x1FCC0] =	vst v63  }
.LBB2_5:
0x31: {  	s22 =	smov.u32 s21;
	s23 =	simm.s32 $0x1  }
0x32: {  	_ =	swait.ge [sflag:s26], $0xA00;
	s21 =	sadd.s32 $0x1, s21;
	p1 =	seq.s32 s22, $0x42  }
0x33: {  	s23 =	simm.s32 @!p0 $0x0;
	[sflag:s26] =	ssyncset.done $0x0;
	s24 =	smul.u32 @!p1 $0xA00, s21  }
0x34: {  	s22 =	sand.u32 $0x1, s22;
	s23 =	smul.u32 $0x2800, s23;
	[sflag:s26] =	ssyncadd.s32 $0xFFFFF600  }
0x35: {  	s22 =	sxor.u32 @!p1 $0x1, s22;
	_ =	swait.ge [sflag:s26], $0xA00;
	s24 =	smin.u32 @!p1 s24, $0x28E10  }
0x36: {  	s22 =	smul.u32 @!p1 $0xA00, s22;
	[sflag:s26] =	ssyncset.done $0x0;
	s24 =	sshrl.u32 @!p1 s24, $0x3  }
0x37: {  	s29 =	simm.s32 @!p1 $0x0;
	[sflag:s26] =	ssyncadd.s32 $0xFFFFF600;
	s25 =	sadd.s32 @!p1 s4, s24  }
0x38: {  	[tilespmem:s22], [sflag:$0x1] =	stream.linear.gather @!p1 [hbm4b:s25+s29], $0xA00, $0x38;
	[tilespmem:$0x1FCC0] =	vst v63  }
0x39: {  	s23 =	sshrl.u32 s23, $0x2;
	s24 =	sadd.s32 @!p1 s2, s24;
	s22 =	sadd.s32 @!p1 $0x1400, s22  }
0x3a: {  	[tilespmem:s22], [sflag:$0x1] =	stream.linear.gather @!p1 [hbm4b:s24+s29], $0xA00, $0x38;
	[tilespmem:$0x1FCC0] =	vst v63  }
0x3b: {  	v2 =	vld [tilespmem:s23+$0x0];
	_ =	sdelay $0x4  }
0x3c: {  	v3 =	vand.u32 $0x3FFF, v2  }
0x3d: {  	s25 =	sadd.s32 $0x1400, s23;
	v1 =	vadd.s32 $0x2710, v3  }
0x3e: {  	v6 =	vld [tilespmem:s25+$0x0];
	v5 =	vand.u32 $0x7, v2;
	v4 =	vadd.s32 $0x4E20, v3;
	v7 =	vand.u32 $0x7FF8, v1  }
0x3f: {  	v8 =	vadd.s32 $0x7530, v3;
	v4 =	vand.u32 $0xFFF8, v4;
	v9 =	vor.u32 v5, v7  }
0x40: {  	p2 =	por $0x1, $0x1;
	s29 =	sadd.s32 $0x10, s23;
	s23 =	simm.f32 $0.0e+00;
	v7 =	vadd.s32 $0x9C40, v3;
	v10 =	vor.u32 v5, v4;
	v4 =	vand.u32 $0xFFF8, v8  }
0x41: {  	s23 =	simm.s32 @!p2 $0x3F800000;
	v1 =	vld [tilespmem:s29+$0x0];
	v8 =	vor.u32 v5, v4;
	v4 =	vand.u32 $0xFFF8, v7;
	v7 =	vadd.s32 $0xC350, v3  }
0x42: {  	s23 =	simm.s32 @!p1 $0x3F800000;
	v11 =	vor.u32 v5, v4;
	v12 =	vand.u32 $0x1FFF8, v7  }
0x43: {  	v7 =	vshrl.u32 v2, $0xE;
	v4 =	vmul.f32 s23, v6;
	v17 =	vld.idx.msk [tilespmem:v3+s18+$0x0], $0xffff;
	v6 =	vor.u32 v5, v12  }
0x44: {  	v5 =	vand.u32 $0x7, v7;
	v13 =	vadd.s32 $0x2710, v7;
	v14 =	vadd.s32 $0x4E20, v7;
	v12 =	vld.idx.msk [tilespmem:v9+s18+$0x0], $0xffff  }
0x45: {  	v19 =	vadd.s32 $0x7530, v7;
	v20 =	vadd.s32 $0x9C40, v7;
	v18 =	vadd.s32 $0xC350, v7;
	v10 =	vld.idx.msk [tilespmem:v10+s18+$0x0], $0xffff  }
0x46: {  	v2 =	vand.u32 $0x3FFF, v1;
	v3 =	vand.u32 $0x7, v1;
	v9 =	vld.idx.msk [tilespmem:v8+s18+$0x0], $0xffff;
	v8 =	vand.u32 $0x7FFF8, v13  }
0x47: {  	v15 =	vand.u32 $0x7FFF8, v14;
	v21 =	vand.u32 $0x7FFF8, v19;
	v11 =	vld.idx.msk [tilespmem:v11+s18+$0x0], $0xffff;
	v13 =	vor.u32 v5, v8  }
0x48: {  	s23 =	sadd.s32 $0x10, s25;
	v20 =	vand.u32 $0x7FFF8, v20;
	v16 =	vadd.s32 $0x2710, v2;
	v15 =	vor.u32 v5, v15;
	v8 =	vld.idx.msk [tilespmem:v6+s18+$0x0], $0xffff  }
0x49: {  	s22 =	simm.s32 $0x1;
	s24 =	sadd.s32 $0x10, s29;
	s25 =	simm.s32 $0x2;
	v14 =	vadd.s32 $0x4E20, v2;
	v19 =	vmul.f32 v4, v17;
	v17 =	vor.u32 v5, v21;
	v6 =	vld [tilespmem:s23+$0x0]  }
.LBB2_6:
0x4a: {  	v21 =	vld [tilespmem:s24+$0x0];
	p2 =	seq.s32 s25, $0x9F;
	v12 =	vmul.f32 v12, v4;
	v20 =	vor.u32 v5, v20;
	v18 =	vand.u32 $0x7FFF8, v18  }
0x4b: {  	v22 =	vadd.s32 $0x7530, v2;
	v10 =	vmul.f32 v10, v4;
	[tilespmem:v7+s28+$0x0] =	vst.idx.add.f32.msk $0xffff, v19;
	v5 =	vor.u32 v5, v18  }
0x4c: {  	v7 =	vand.u32 $0x7FF8, v16;
	v16 =	vadd.s32 $0x9C40, v2;
	v9 =	vmul.f32 v9, v4;
	[tilespmem:v13+s28+$0x0] =	vst.idx.add.f32.msk $0xffff, v12  }
0x4d: {  	v12 =	vor.u32 v3, v7;
	v7 =	vand.u32 $0xFFF8, v14;
	v11 =	vmul.f32 v11, v4;
	[tilespmem:v15+s28+$0x0] =	vst.idx.add.f32.msk $0xffff, v10  }
0x4e: {  	p3 =	slt.u32 s22, $0x5F;
	s22 =	smov.u32 s25;
	s29 =	simm.f32 $0.0e+00;
	v10 =	vor.u32 v3, v7;
	v7 =	vand.u32 $0xFFF8, v22;
	v4 =	vmul.f32 v8, v4;
	[tilespmem:v17+s28+$0x0] =	vst.idx.add.f32.msk $0xffff, v9  }
0x4f: {  	s29 =	simm.s32 @!p3 $0x3F800000;
	v8 =	vor.u32 v3, v7;
	v7 =	vand.u32 $0xFFF8, v16;
	v9 =	vadd.s32 $0xC350, v2;
	[tilespmem:v20+s28+$0x0] =	vst.idx.add.f32.msk $0xffff, v11  }
0x50: {  	s29 =	simm.s32 @!p1 $0x3F800000;
	v11 =	vor.u32 v3, v7;
	v9 =	vand.u32 $0x1FFF8, v9;
	[tilespmem:v5+s28+$0x0] =	vst.idx.add.f32.msk $0xffff, v4  }
0x51: {  	v7 =	vshrl.u32 v1, $0xE;
	v1 =	vmovc v21;
	v4 =	vmul.f32 s29, v6;
	v6 =	vor.u32 v3, v9;
	v17 =	vld.idx.msk [tilespmem:v2+s18+$0x0], $0xffff  }
0x52: {  	v3 =	vand.u32 $0x7, v1;
	v5 =	vand.u32 $0x7, v7;
	v2 =	vand.u32 $0x3FFF, v1;
	v12 =	vld.idx.msk [tilespmem:v12+s18+$0x0], $0xffff  }
.Ltmp1:
0x53: {  	v13 =	vadd.s32 $0x2710, v7;
	v14 =	vadd.s32 $0x4E20, v7;
	v19 =	vadd.s32 $0x7530, v7;
	v10 =	vld.idx.msk [tilespmem:v10+s18+$0x0], $0xffff;
	(pc) =	sbr.rel @!p2 .LBB2_6-.Ltmp1, $4  }
0x54: {  	v20 =	vadd.s32 $0x9C40, v7;
	v18 =	vadd.s32 $0xC350, v7;
	v9 =	vld.idx.msk [tilespmem:v8+s18+$0x0], $0xffff;
	v8 =	vand.u32 $0x7FFF8, v13  }
0x55: {  	v15 =	vand.u32 $0x7FFF8, v14;
	v16 =	vadd.s32 $0x2710, v2;
	v11 =	vld.idx.msk [tilespmem:v11+s18+$0x0], $0xffff;
	v13 =	vor.u32 v5, v8  }
0x56: {  	s23 =	sadd.s32 $0x10, s23;
	v21 =	vand.u32 $0x7FFF8, v19;
	v14 =	vadd.s32 $0x4E20, v2;
	v15 =	vor.u32 v5, v15;
	v8 =	vld.idx.msk [tilespmem:v6+s18+$0x0], $0xffff  }
0x57: {  	s24 =	sadd.s32 $0x10, s24;
	s25 =	sadd.s32 $0x1, s25;
	v20 =	vand.u32 $0x7FFF8, v20;
	v19 =	vmul.f32 v4, v17;
	v17 =	vor.u32 v5, v21;
	v6 =	vld [tilespmem:s23+$0x0]  }
0x58: {  	_ =	sdelay $0x1  }
0x59: {  	v12 =	vmul.f32 v12, v4  }
0x5a: {  	v20 =	vor.u32 v5, v20;
	v18 =	vand.u32 $0x7FFF8, v18;
	v21 =	vadd.s32 $0x7530, v2  }
0x5b: {  	v42 =	vand.u32 $0x7FF8, v16;
	v43 =	vadd.s32 $0x9C40, v2;
	v49 =	vadd.s32 $0xC350, v2;
	v2 =	vld.idx.msk [tilespmem:v2+s18+$0x0], $0xffff  }
0x5c: {  	v10 =	vmul.f32 v10, v4;
	v44 =	vand.u32 $0xFFF8, v14;
	[tilespmem:v7+s28+$0x0] =	vst.idx.add.f32.msk $0xffff, v19;
	v7 =	vor.u32 v3, v42  }
0x5d: {  	v9 =	vmul.f32 v9, v4;
	v45 =	vor.u32 v3, v44;
	v46 =	vand.u32 $0xFFF8, v21;
	[tilespmem:v13+s28+$0x0] =	vst.idx.add.f32.msk $0xffff, v12  }
0x5e: {  	v48 =	vand.u32 $0xFFF8, v43;
	v11 =	vmul.f32 v11, v4;
	v47 =	vor.u32 v3, v46;
	[tilespmem:v15+s28+$0x0] =	vst.idx.add.f32.msk $0xffff, v10  }
0x5f: {  	v1 =	vshrl.u32 v1, $0xE;
	v52 =	vand.u32 $0x1FFF8, v49;
	v51 =	vor.u32 v3, v48;
	[tilespmem:v17+s28+$0x0] =	vst.idx.add.f32.msk $0xffff, v9  }
0x60: {  	p2 =	slt.u32 s22, $0x5F;
	s22 =	simm.f32 $0.0e+00;
	v50 =	vor.u32 v5, v18;
	v54 =	vand.u32 $0x7, v1;
	v3 =	vor.u32 v3, v52;
	[tilespmem:v20+s28+$0x0] =	vst.idx.add.f32.msk $0xffff, v11  }
0x61: {  	s22 =	simm.s32 @!p2 $0x3F800000;
	v55 =	vadd.s32 $0x2710, v1;
	v56 =	vadd.s32 $0x4E20, v1;
	v57 =	vadd.s32 $0x7530, v1;
	v7 =	vld.idx.msk [tilespmem:v7+s18+$0x0], $0xffff  }
0x62: {  	v58 =	vadd.s32 $0x9C40, v1;
	v59 =	vadd.s32 $0xC350, v1;
	s22 =	simm.s32 @!p1 $0x3F800000;
	v12 =	vand.u32 $0x7FFF8, v55;
	v10 =	vld.idx.msk [tilespmem:v45+s18+$0x0], $0xffff  }
0x63: {  	v13 =	vand.u32 $0x7FFF8, v56;
	v12 =	vor.u32 v54, v12;
	v6 =	vmul.f32 s22, v6;
	v9 =	vld.idx.msk [tilespmem:v47+s18+$0x0], $0xffff  }
0x64: {  	v14 =	vand.u32 $0x7FFF8, v57;
	v53 =	vmul.f32 v8, v4;
	v13 =	vor.u32 v54, v13;
	v11 =	vld.idx.msk [tilespmem:v51+s18+$0x0], $0xffff  }
0x65: {  	v14 =	vor.u32 v54, v14;
	v15 =	vand.u32 $0x7FFF8, v58;
	v2 =	vmul.f32 v6, v2;
	v3 =	vld.idx.msk [tilespmem:v3+s18+$0x0], $0xffff  }
0x66: {  	v62 =	vand.u32 $0x7FFF8, v59;
	v61 =	vor.u32 v54, v15;
	[tilespmem:v50+s28+$0x0] =	vst.idx.add.f32.msk $0xffff, v53;
	v60 =	vmul.f32 v7, v6  }
0x67: {  	[tilespmem:v1+s28+$0x0] =	vst.idx.add.f32.msk $0xffff, v2;
	v1 =	vor.u32 v54, v62;
	v10 =	vmul.f32 v10, v6  }
0x68: {  	v2 =	vmul.f32 v9, v6;
	[tilespmem:v12+s28+$0x0] =	vst.idx.add.f32.msk $0xffff, v60  }
0x69: {  	v63 =	vmul.f32 v11, v6;
	[tilespmem:v13+s28+$0x0] =	vst.idx.add.f32.msk $0xffff, v10  }
0x6a: {  	v3 =	vmul.f32 v3, v6;
	[tilespmem:v14+s28+$0x0] =	vst.idx.add.f32.msk $0xffff, v2  }
0x6b: {  	[tilespmem:v61+s28+$0x0] =	vst.idx.add.f32.msk $0xffff, v63  }
0x6c: {  	[tilespmem:v1+s28+$0x0] =	vst.idx.add.f32.msk $0xffff, v3  }
0x6d: {  	p1 =	seq.s32 s21, $0x43  }
.Ltmp2:
0x6e: {  	_ = 	snop;
	(pc) =	sbr.rel @!p1 .LBB2_5-.Ltmp2, $2  }
0x6f: {  	_ =	sdelay $0x2  }
0x70: {  	p0 =	por !p0, !p0  }
0x71: {  	[hbm4b:s11+s3] =	stream.linear.scatter [tilespmem:s28], [sflag:$0x2], $0x2710, $0x38;
	[tilespmem:$0x1FCC0] =	vst v63  }
0x72: {  	_ =	swait.ge [sflag:s19], $0x2710  }
0x73: {  	[sflag:s19] =	ssyncset.done $0x0  }
0x74: {  	s21 =	simm.s32 $0x13970;
	[sflag:s19] =	ssyncadd.s32 $0xFFFFD8F0  }
0x75: {  	[hbm4b:s12+s3] =	stream.linear.scatter [tilespmem:s21], [sflag:$0x2], $0x2710, $0x38;
	[tilespmem:$0x1FCC0] =	vst v63  }
0x76: {  	_ =	swait.ge [sflag:s19], $0x2710  }
0x77: {  	[sflag:s19] =	ssyncset.done $0x0  }
0x78: {  	[sflag:s19] =	ssyncadd.s32 $0xFFFFD8F0  }
0x79: {  	[hbm4b:s13+s3] =	stream.linear.scatter [tilespmem:s30], [sflag:$0x2], $0x2710, $0x38;
	[tilespmem:$0x1FCC0] =	vst v63  }
0x7a: {  	_ =	swait.ge [sflag:s19], $0x2710  }
0x7b: {  	[sflag:s19] =	ssyncset.done $0x0  }
0x7c: {  	[sflag:s19] =	ssyncadd.s32 $0xFFFFD8F0  }
0x7d: {  	[hbm4b:s14+s3] =	stream.linear.scatter [tilespmem:s31], [sflag:$0x2], $0x2710, $0x38;
	[tilespmem:$0x1FCC0] =	vst v63  }
0x7e: {  	_ =	swait.ge [sflag:s19], $0x2710  }
0x7f: {  	[sflag:s19] =	ssyncset.done $0x0  }
0x80: {  	[sflag:s19] =	ssyncadd.s32 $0xFFFFD8F0  }
0x81: {  	[hbm4b:s15+s3] =	stream.linear.scatter [tilespmem:s0], [sflag:$0x2], $0x2710, $0x38;
	[tilespmem:$0x1FCC0] =	vst v63  }
0x82: {  	s20 =	sadd.s32 $0x1, s20;
	_ =	swait.ge [sflag:s19], $0x2710  }
0x83: {  	p0 =	sne.s32 s20, s17;
	[sflag:s19] =	ssyncset.done $0x0  }
.Ltmp3:
0x84: {  	[sflag:s19] =	ssyncadd.s32 $0xFFFFD8F0;
	(pc) =	sbr.rel @p0 .LBB2_1-.Ltmp3, $4  }
0x85: {  	[hbm4b:s16+s3] =	stream.linear.scatter [tilespmem:s1], [sflag:$0x2], $0x2710, $0x38;
	[tilespmem:$0x1FCC0] =	vst v63  }
0x86: {  	_ =	swait.ge [sflag:s19], $0x2710  }
0x87: {  	[sflag:s19] =	ssyncset.done $0x0  }
0x88: {  	[sflag:s19] =	ssyncadd.s32 $0xFFFFD8F0  }
0x89: {  	_ =	sfence.sel $0x180000  }
0x8a: {  	[bflag:$0x0] =	sbarrier.arrive $0xFFFF  }
0x8b: {  	_ =	strace $0x90000047  }
0x8c: {  	s0 =	stileid.u32;
	[bflag:$0x2] =	sbarrier.arrive $0xFFFF  }
0x8d: {  	p0 =	sne.s32 s0, $0x0;
	s0 =	rddreg [dreg:$0x2]  }
0x8e: {  	s0 =	sadd.s32 @!p0 $0x100000, s0  }
0x8f: {  	[sflag:s0] =	ssyncadd.tile.s32 @!p0 $0x1;
	_ =	shalt  }
.Lfunc_end2:
_tile_overlayer_lowered:
.L_overlay_start_2:
0x90: {  	(tag) =	ssettag $0x2  }
0x91: {  	s0 =	rddreg [dreg:$0x0];
	s2 =	stileid.u32  }
0x92: {  	s1 =	rddreg [dreg:$0x1];
	p0 =	sne.s32 s2, $0x0  }
0x93: {  	s3 =	rddreg [dreg:$0x2];
	[bflag:$0x3] =	sbarrier.arrive $0xFFFF;
	s2 =	simm.s32 @!p0 $0x1C02  }
0x94: {  	[timem:s3], [sflag:s2] =	dma.local @!p0 [hbm:s0], s1  }
0x95: {  	s0 =	simm.s32 @!p0 $0x2  }
0x96: {  	_ =	swait.ge @!p0 [sflag:s0], s1  }
0x97: {  	s1 =	ssub.s32 @!p0 $0x0, s1;
	[sflag:s0] =	ssyncset.done @!p0 $0x0  }
0x98: {  	[sflag:s0] =	ssyncadd.s32 @!p0 s1  }
0x99: {  	[bflag:$0x3] =	sbarrier.arrive $0xFFFF  }
0x9a: {  	_ =	shalt  }

// kernel: kernel.7.cloned.1.call-start
scs
__scs_entry_jumppad:
0x0: {  	(pc) =	sbr.rel $0x88, $3  }
0x1: {  	(tag) =	ssettag $0x0;
	lr =	simm.s32 $0x1  }
0x2: {  	[smem:$0x3F9A] =	sst lr;
	_ =	strace $0xD0000000  }
0x3: {  	_ = 	snop  }
0x4: {  	_ = 	snop  }
0x5: {  	_ = 	snop  }
0x6: {  	_ = 	snop  }
0x7: {  	_ = 	snop  }
__scs_overlays_trampoline_lowered:
0x8: {  	[smem:$0x3FA9] =	sst s0  }
0x9: {  	[smem:$0x3FAA] =	sst s1  }
0xa: {  	[smem:$0x3FAB] =	sst s2  }
0xb: {  	[smem:$0x3FAC] =	sst s3  }
0xc: {  	[smem:$0x3FAD] =	sst s4  }
0xd: {  	[smem:$0x3FAE] =	sst s5  }
0xe: {  	[smem:$0x3FAF] =	sst s6  }
0xf: {  	[smem:$0x3FB0] =	sst s7  }
0x10: {  	[smem:$0x3FB1] =	sst s8  }
0x11: {  	[smem:$0x3FB2] =	sst s9;
	s0 =	simm.s32 @!p0 $0x0  }
0x12: {  	s1 =	sld [smem:$0x3F98];
	s0 =	simm.s32 @p0 $0x1  }
0x13: {  	[smem:$0x3FB3] =	sst s0;
	s0 =	simm.s32 @!p1 $0x0  }
0x14: {  	s2 =	sld [smem:$0x3F97];
	s0 =	simm.s32 @p1 $0x1  }
0x15: {  	[smem:$0x3FB4] =	sst s0;
	s0 =	simm.s32 @!p2 $0x0  }
0x16: {  	s3 =	sld [smem:$0x3FDB];
	s0 =	simm.s32 @p2 $0x1  }
0x17: {  	s4 =	simm.s32 $0x1BF5;
	[smem:$0x3FB6] =	sst s0  }
0x18: {  	s0 =	sld [smem:$0x3F99];
	_ =	swait.ge [sflag:s4], $0x0  }
0x19: {  	s7 =	sld [smem:$0x3F9A]  }
0x1a: {  	s8 =	sadd.s32 $0xFFFFE003, lr  }
0x1b: {  	s9 =	sadd.s32 $0xFFFFFEF7, lr;
	s5 =	simm.s32 $0xFFFFFFFF;
	p2 =	slt.u32 s8, $0xFFFFF086  }
0x1c: {  	p1 =	slt.u32 s9, $0xF7A;
	s5 =	simm.s32 @!p2 $0x0  }
0x1d: {  	s5 =	simm.s32 @p1 $0x1;
	p0 =	seq.s32 s7, s2  }
0x1e: {  	s7 =	smul.u32 @!p0 $0xF7A, s2;
	p2 =	seq.s32 @!p0 s5, $0x0  }
0x1f: {  	s9 =	smul.u32 $0xF7A, s1;
	s8 =	simm.s32 @!p0 $0x1BF5;
	p2 =	por !p2, p0  }
0x20: {  	[sflag:s8] =	ssyncset.s32 @!p0 $0xFFFFF086;
	s6 =	sadd.s32 @!p0 s3, s7;
	s7 =	simm.s32 @!p0 $0x108  }
0x21: {  	s3 =	sadd.s32 s3, s9;
	s6 =	sadd.s32 @!p0 $0x88, s6;
	s7 =	simm.s32 @p2 $0x1082  }
0x22: {  	[simem:s7], [sflag:s8] =	dma.local @!p0 [hbm:s6], $0xF7A  }
0x23: {  	s9 =	sor.u32 $0xD0000000, s2;
	s6 =	simm.s32 $0x108;
	_ =	swait.ge @!p0 [sflag:s8], $0x0  }
0x24: {  	s3 =	sadd.s32 $0x88, s3;
	s6 =	simm.s32 @!p1 $0x1082;
	[sflag:s4] =	ssyncset.s32 $0xFFFFF086  }
0x25: {  	[simem:s6], [sflag:s4] =	dma.local [hbm:s3], $0xF7A  }
0x26: {  	[smem:$0x3F9A] =	sst s1;
	(tag) =	ssettag s2;
	_ =	strace s9  }
0x27: {  	s1 =	sld [smem:$0x3FAA]  }
0x28: {  	s2 =	sld [smem:$0x3FAB]  }
0x29: {  	s4 =	sld [smem:$0x3FAD]  }
0x2a: {  	p0 =	seq.s32 s5, $0x0;
	s5 =	sld [smem:$0x3FAE]  }
0x2b: {  	s6 =	sld [smem:$0x3FAF]  }
0x2c: {  	s7 =	sld [smem:$0x3FB0]  }
0x2d: {  	s3 =	simm.s32 $0x108;
	s8 =	sld [smem:$0x3FB1]  }
0x2e: {  	s3 =	simm.s32 @!p0 $0x1082;
	s9 =	sld [smem:$0x3FB2]  }
0x2f: {  	lr =	sadd.s32 s0, s3;
	s0 =	sld [smem:$0x3FA9]  }
0x30: {  	s3 =	sld [smem:$0x3FAC]  }
0x31: {  	[smem:$0x3FB5] =	sst s10  }
0x32: {  	s10 =	sld [smem:$0x3FB3];
	_ =	sdelay $0x3  }
0x33: {  	p0 =	seq.s32 s10, $0x1;
	s10 =	sld [smem:$0x3FB5];
	_ =	sdelay $0x3  }
0x34: {  	[smem:$0x3FB5] =	sst s10  }
0x35: {  	s10 =	sld [smem:$0x3FB4];
	_ =	sdelay $0x3  }
0x36: {  	p1 =	seq.s32 s10, $0x1;
	s10 =	sld [smem:$0x3FB5];
	_ =	sdelay $0x3  }
0x37: {  	[smem:$0x3FB5] =	sst s10  }
0x38: {  	s10 =	sld [smem:$0x3FB6]  }
0x39: {  	_ = 	snop;
	(pc) =	sbr.ind lr, $3  }
0x3a: {  	_ = 	snop  }
0x3b: {  	_ = 	snop  }
0x3c: {  	p2 =	seq.s32 s10, $0x1;
	s10 =	sld [smem:$0x3FB5]  }
0x3d: {  	_ =	shalt  }
0x3e: {  	_ =	shalt  }
0x3f: {  	_ =	shalt  }
0x40: {  	_ =	shalt  }
0x41: {  	_ =	shalt  }
0x42: {  	_ =	shalt  }
0x43: {  	_ =	shalt  }
0x44: {  	_ =	shalt  }
0x45: {  	_ =	shalt  }
0x46: {  	_ =	shalt  }
0x47: {  	_ =	shalt  }
0x48: {  	_ =	shalt  }
0x49: {  	_ =	shalt  }
0x4a: {  	_ =	shalt  }
0x4b: {  	_ =	shalt  }
0x4c: {  	_ =	shalt  }
0x4d: {  	_ =	shalt  }
0x4e: {  	_ =	shalt  }
0x4f: {  	_ =	shalt  }
0x50: {  	_ =	shalt  }
0x51: {  	_ =	shalt  }
0x52: {  	_ =	shalt  }
0x53: {  	_ =	shalt  }
0x54: {  	_ =	shalt  }
0x55: {  	_ =	shalt  }
0x56: {  	_ =	shalt  }
0x57: {  	_ =	shalt  }
0x58: {  	_ =	shalt  }
0x59: {  	_ =	shalt  }
0x5a: {  	_ =	shalt  }
0x5b: {  	_ =	shalt  }
0x5c: {  	_ =	shalt  }
0x5d: {  	_ =	shalt  }
0x5e: {  	_ =	shalt  }
0x5f: {  	_ =	shalt  }
0x60: {  	_ =	shalt  }
0x61: {  	_ =	shalt  }
0x62: {  	_ =	shalt  }
0x63: {  	_ =	shalt  }
0x64: {  	_ =	shalt  }
0x65: {  	_ =	shalt  }
0x66: {  	_ =	shalt  }
0x67: {  	_ =	shalt  }
0x68: {  	_ =	shalt  }
0x69: {  	_ =	shalt  }
0x6a: {  	_ =	shalt  }
0x6b: {  	_ =	shalt  }
0x6c: {  	_ =	shalt  }
0x6d: {  	_ =	shalt  }
0x6e: {  	_ =	shalt  }
0x6f: {  	_ =	shalt  }
0x70: {  	_ =	shalt  }
0x71: {  	_ =	shalt  }
0x72: {  	_ =	shalt  }
0x73: {  	_ =	shalt  }
0x74: {  	_ =	shalt  }
0x75: {  	_ =	shalt  }
0x76: {  	_ =	shalt  }
0x77: {  	_ =	shalt  }
0x78: {  	_ =	shalt  }
0x79: {  	_ =	shalt  }
0x7a: {  	_ =	shalt  }
0x7b: {  	_ =	shalt  }
0x7c: {  	_ =	shalt  }
0x7d: {  	_ =	shalt  }
0x7e: {  	_ =	shalt  }
0x7f: {  	_ =	shalt  }
0x80: {  	_ =	shalt  }
0x81: {  	_ =	shalt  }
0x82: {  	_ =	shalt  }
0x83: {  	_ =	shalt  }
0x84: {  	_ =	shalt  }
0x85: {  	_ =	shalt  }
0x86: {  	_ =	shalt  }
0x87: {  	_ =	shalt  }
.Lfunc_end0:
.L_simem_size_0:
called_computation_lowered:
.L_overlay_start_0:
0x88: {  	s2 =	sld [smem:$0x3FD9]  }
0x89: {  	s3 =	sld [smem:$0x3FFE];
	_ =	sdelay $0x1  }
0x8a: {  	s1 =	srdreg.scid  }
0x8b: {  	s0 =	sand.u32 $0x1, s1  }
0x8c: {  	s17 =	sshll.u32 s0, $0xA;
	s2 =	sadd.s32 s3, s2  }
0x8d: {  	s2 =	sadd.s32 s2, s17  }
0x8e: {  	[smem:$0x3FC1] =	sst s2  }
0x8f: {  	_ = 	snop  }
0x90: {  	s18 =	sld [smem:$0x3FC3]  }
0x91: {  	s4 =	sld [smem:$0x3FD0];
	(tm) =	ssettm $0x1  }
0x92: {  	s19 =	sld [smem:$0x3FFB];
	_ =	sdelay $0x3  }
0x93: {  	_ =	strace s19  }
0x94: {  	s2 =	sld [smem:$0x3FFC];
	_ =	sdelay $0x3  }
0x95: {  	_ =	strace s2  }
0x96: {  	s2 =	sld [smem:$0x3FFD];
	_ =	sdelay $0x3  }
0x97: {  	_ =	strace s2  }
0x98: {  	_ =	strace $0x8FFFFFFF  }
0x99: {  	s20 =	sld [smem:$0x3FDB];
	_ =	sdelay $0x1  }
0x9a: {  	s5 =	simm.s32 $_scs_section_size  }
0x9b: {  	s6 =	simm.s32 $_size__tile_overlayer_lowered;
	s7 =	simm.s32 $_tile_overlayer_lowered  }
0x9c: {  	s8 =	simm.s32 $0x1BFF;
	s21 =	sshll.u32 s7, $0x1;
	s5 =	sadd.s32 s5, s20  }
0x9d: {  	s22 =	simm.s32 $0x0;
	s6 =	sshll.u32 s6, $0x1;
	s7 =	sadd.s32 s21, s5  }
0x9e: {  	[timem:s22], [sflag:s8] =	dma.local [hbm:s7], s6  }
0x9f: {  	_ =	swait.ge [sflag:s8], s6  }
0xa0: {  	s6 =	ssub.s32 $0x0, s6;
	[sflag:s8] =	ssyncset.done $0x0  }
0xa1: {  	[sflag:s8] =	ssyncadd.s32 s6;
	_ =	sdelay $0x1  }
0xa2: {  	s23 =	simm.s32 $0x1B8B  }
0xa3: {  	_ =	swait.ge [sflag:s23], $0x1  }
0xa4: {  	[sflag:s23] =	ssyncset.done $0x0  }
0xa5: {  	[sflag:s23] =	ssyncadd.s32 $0xFFFFFFFF  }
0xa6: {  	s6 =	sld [smem:$0x0]  }
0xa7: {  	s7 =	sand.u32 $0xFFFFFFFE, s1  }
0xa8: {  	p0 =	sne.s32 s1, s7  }
0xa9: {  	s7 =	sshll.u32 @p0 s7, $0xE  }
0xaa: {  	s7 =	sadd.s32 @p0 $0x11B8D, s7;
	s8 =	sshll.u32 @p0 s6, $0x11  }
0xab: {  	s7 =	sor.u32 @p0 s8, s7  }
0xac: {  	[sflag:s7] =	ssyncadd.remote.s32 @p0 $0x1;
	_ =	sdelay $0x1  }
0xad: {  	s7 =	simm.s32 @p0 $0x1B8D  }
0xae: {  	_ =	swait.eq @p0 [sflag:s7], $0x1  }
0xaf: {  	[sflag:s7] =	ssyncadd.s32 @p0 $0xFFFFFFFF  }
0xb0: {  	s8 =	sshll.u32 @!p0 s1, $0xE  }
0xb1: {  	s8 =	sor.u32 @!p0 $0x4000, s8;
	s7 =	simm.s32 @!p0 $0x1B8D  }
0xb2: {  	s6 =	sshll.u32 @!p0 s6, $0x11;
	s8 =	sadd.s32 @!p0 $0x11B8D, s8;
	_ =	swait.eq @!p0 [sflag:s7], $0x1  }
0xb3: {  	s6 =	sor.u32 @!p0 s6, s8;
	[sflag:s7] =	ssyncadd.s32 @!p0 $0xFFFFFFFF  }
0xb4: {  	s25 =	simm.s32 $0x1B8E;
	s24 =	sld [smem:$0x3FFE];
	[sflag:s6] =	ssyncadd.remote.s32 @!p0 $0x1  }
0xb5: {  	s26 =	simm.s32 $execute0_lowered;
	[smem:$0x3FD2] =	sst s25  }
0xb6: {  	s7 =	sshll.u32 s26, $0x1;
	_ =	strace $0x80000049;
	[dreg:$0x1] =	wrdreg $0xFFFFFFFF  }
0xb7: {  	s28 =	simm.s32 $_size_execute0_lowered;
	s5 =	sadd.s32 s5, s7;
	[dreg:$0x0] =	wrdreg $0x0  }
0xb8: {  	s7 =	sshll.u32 s28, $0x1;
	[dreg:$0x2] =	wrdreg s5  }
0xb9: {  	[dreg:$0x3] =	wrdreg s7  }
0xba: {  	[dreg:$0x4] =	wrdreg $0xC0  }
0xbb: {  	_ =	task [dreg:s22], $0x5FFFF  }
0xbc: {  	[dreg:$0x1] =	wrdreg $0xFFFFFFFF  }
0xbd: {  	[dreg:$0x0] =	wrdreg $0x60  }
0xbe: {  	[dreg:$0x2] =	wrdreg s4  }
0xbf: {  	[dreg:$0x3] =	wrdreg s24  }
0xc0: {  	[dreg:$0x4] =	wrdreg s18  }
0xc1: {  	[dreg:$0x5] =	wrdreg $0x9  }
0xc2: {  	_ =	task.clear_ibuf [dreg:s22], $0x6FFFF;
	_ =	strace $0x90000049  }
0xc3: {  	s29 =	simm.s32 $0x9;
	_ =	strace $0x8000004B  }
0xc4: {  	_ =	swait.ge [sflag:s29], $0x1  }
0xc5: {  	[sflag:s29] =	ssyncadd.s32 $0xFFFFFFFF  }
0xc6: {  	_ =	strace $0x9000004B  }
0xc7: {  	_ =	sfence  }
0xc8: {  	s30 =	sld [smem:$0x0];
	_ =	sdelay $0x2  }
0xc9: {  	s31 =	sshll.u32 s1, $0xD;
	s1 =	sshrl.u32 s1, $0x2  }
0xca: {  	s4 =	sand.u32 $0x4000, s31;
	s1 =	sadd.s32 s1, s30  }
0xcb: {  	s0 =	sor.u32 s4, s0;
	s1 =	sshll.u32 s1, $0x11  }
0xcc: {  	s0 =	sor.u32 s1, s0  }
0xcd: {  	s0 =	sadd.s32 $0x8F2B, s0  }
0xce: {  	[sflag:s0] =	ssyncadd.remote.s32 $0x1  }
0xcf: {  	_ =	sfence.sel $0xFFFF  }
0xd0: {  	[dreg:$0x0] =	wrdreg $0xFFFFFFFF;
	(pc) =	sbr.abs _section_cstart, $3  }
0xd1: {  	[dreg:$0x1] =	wrdreg $0xFFFFFFFF  }
0xd2: {  	_ =	task.clear_ibuf [dreg:s22], $0x2FFFF;
	_ =	strace $0x9FFFFFFF  }
0xd3: {  	(tm) =	ssettm $0x7FFFFFFF  }
tec
execute0_lowered:
.L_overlay_start_1:
0x0: {  	(tag) =	ssettag $0x1  }
0x1: {  	s0 =	rddreg [dreg:$0x0]  }
0x2: {  	s1 =	srdreg.scid;
	s5 =	rddreg [dreg:$0x1]  }
0x3: {  	s2 =	rddreg [dreg:$0x2];
	s6 =	stileid.u32;
	s3 =	simm.s32 $0x0  }
0x4: {  	s18 =	simm.s32 $0x2800;
	s19 =	simm.s32 $0x2;
	s1 =	sand.u32 $0x1, s1  }
0x5: {  	s26 =	simm.s32 $0x1;
	s28 =	simm.s32 $0x11260;
	s4 =	sshll.u32 s1, $0x4  }
0x6: {  	s30 =	simm.s32 $0x16080;
	s31 =	simm.s32 $0x18790;
	s4 =	sor.u32 s6, s4  }
0x7: {  	s20 =	simm.s32 $0x0;
	[smem:$0x7FF] =	sst s3;
	s6 =	smul.u32 $0x2710, s4  }
0x8: {  	s16 =	sadd.s32 $0x250A00, s5;
	_ =	strace $0x8000004A;
	s1 =	ssub.s32 $0x2, s1  }
0x9: {  	s7 =	sshrl.u32 s1, $0x1;
	s4 =	sadd.s32 $0x126600, s5;
	s11 =	sshrl.u32 s6, $0x3  }
0xa: {  	s1 =	ssub.s32 s1, s7;
	s12 =	sadd.s32 $0x9C40, s11;
	s5 =	sadd.s32 s0, s11  }
0xb: {  	s13 =	sadd.s32 $0x13880, s11;
	s14 =	sadd.s32 $0x1D4C0, s11;
	s15 =	sadd.s32 $0x27100, s11  }
0xc: {  	s17 =	sadd.s32 $0x30D40, s11;
	s11 =	sadd.s32 s16, s11;
	s6 =	sadd.s32 s0, s12  }
0xd: {  	s7 =	sadd.s32 s0, s13;
	s8 =	sadd.s32 s0, s14;
	s9 =	sadd.s32 s0, s15  }
0xe: {  	s10 =	sadd.s32 s0, s17;
	s12 =	sadd.s32 s16, s12;
	s13 =	sadd.s32 s16, s13  }
0xf: {  	s14 =	sadd.s32 s16, s14;
	s15 =	sadd.s32 s16, s15;
	s16 =	sadd.s32 s16, s17  }
0x10: {  	v0 =	vimm.f32 $0.0e+00;
	s17 =	smax.u32 s1, $0x1;
	s0 =	simm.s32 $0x1AEA0;
	s1 =	simm.s32 $0x1D5B0  }
.LBB2_1:
0x11: {  	[tilespmem:s18], [sflag:$0x2] =	stream.linear.gather [hbm4b:s5+s3], $0x2710, $0x38;
	[tilespmem:$0x1FCC0] =	vst v63  }
0x12: {  	_ =	swait.ge [sflag:s19], $0x2710  }
0x13: {  	[sflag:s19] =	ssyncset.done $0x0  }
0x14: {  	s21 =	simm.s32 $0x4F10;
	[sflag:s19] =	ssyncadd.s32 $0xFFFFD8F0  }
0x15: {  	[tilespmem:s21], [sflag:$0x2] =	stream.linear.gather [hbm4b:s6+s3], $0x2710, $0x38;
	[tilespmem:$0x1FCC0] =	vst v63  }
0x16: {  	_ =	swait.ge [sflag:s19], $0x2710  }
0x17: {  	[sflag:s19] =	ssyncset.done $0x0  }
0x18: {  	s23 =	simm.s32 $0x7620;
	[sflag:s19] =	ssyncadd.s32 $0xFFFFD8F0  }
0x19: {  	[tilespmem:s23], [sflag:$0x2] =	stream.linear.gather [hbm4b:s7+s3], $0x2710, $0x38;
	[tilespmem:$0x1FCC0] =	vst v63  }
0x1a: {  	_ =	swait.ge [sflag:s19], $0x2710  }
0x1b: {  	[sflag:s19] =	ssyncset.done $0x0  }
0x1c: {  	s24 =	simm.s32 $0x9D30;
	[sflag:s19] =	ssyncadd.s32 $0xFFFFD8F0  }
0x1d: {  	[tilespmem:s24], [sflag:$0x2] =	stream.linear.gather [hbm4b:s8+s3], $0x2710, $0x38;
	[tilespmem:$0x1FCC0] =	vst v63  }
0x1e: {  	_ =	swait.ge [sflag:s19], $0x2710  }
0x1f: {  	[sflag:s19] =	ssyncset.done $0x0  }
0x20: {  	s25 =	simm.s32 $0xC440;
	[sflag:s19] =	ssyncadd.s32 $0xFFFFD8F0  }
0x21: {  	[tilespmem:s25], [sflag:$0x2] =	stream.linear.gather [hbm4b:s9+s3], $0x2710, $0x38;
	[tilespmem:$0x1FCC0] =	vst v63  }
0x22: {  	_ =	swait.ge [sflag:s19], $0x2710  }
0x23: {  	[sflag:s19] =	ssyncset.done $0x0  }
0x24: {  	s29 =	simm.s32 $0xEB50;
	[sflag:s19] =	ssyncadd.s32 $0xFFFFD8F0  }
0x25: {  	[tilespmem:s29], [sflag:$0x2] =	stream.linear.gather [hbm4b:s10+s3], $0x2710, $0x38;
	[tilespmem:$0x1FCC0] =	vst v63  }
0x26: {  	_ =	swait.ge [sflag:s19], $0x2710  }
0x27: {  	[sflag:s19] =	ssyncset.done $0x0  }
0x28: {  	s22 =	simm.s32 $0x0;
	s21 =	simm.s32 $0x40;
	[sflag:s19] =	ssyncadd.s32 $0xFFFFD8F0  }
.LBB2_2:
0x29: {  	p0 =	sne.s32 s21, $0x3A940;
	[tilespmem:s22+$0x11260] =	vst v0;
	s22 =	smov.u32 s21;
	s21 =	sadd.s32 $0x40, s21  }
.Ltmp0:
0x2a: {  	(pc) =	sbr.rel @p0 .LBB2_2-.Ltmp0, $2  }
0x2b: {  	_ =	sdelay $0x2  }
0x2c: {  	s22 =	sshra.s32 s22, $0x2  }
0x2d: {  	[tilespmem:s22+$0x11260] =	vst v0;
	s21 =	simm.s32 $0x0  }
0x2e: {  	[tilespmem:s21], [sflag:$0x1] =	stream.linear.gather [hbm4b:s4+s21], $0xA00, $0x38;
	[tilespmem:$0x1FCC0] =	vst v63  }
0x2f: {  	s29 =	simm.s32 $0x1400;
	p0 =	por $0x0, $0x0  }
0x30: {  	[tilespmem:s29], [sflag:$0x1] =	stream.linear.gather [hbm4b:s2+s21], $0xA00, $0x38;
	[tilespmem:$0x1FCC0] =	vst v63  }
.LBB2_5:
0x31: {  	s22 =	smov.u32 s21;
	s23 =	simm.s32 $0x1  }
0x32: {  	_ =	swait.ge [sflag:s26], $0xA00;
	s21 =	sadd.s32 $0x1, s21;
	p1 =	seq.s32 s22, $0x42  }
0x33: {  	s23 =	simm.s32 @!p0 $0x0;
	[sflag:s26] =	ssyncset.done $0x0;
	s24 =	smul.u32 @!p1 $0xA00, s21  }
0x34: {  	s22 =	sand.u32 $0x1, s22;
	s23 =	smul.u32 $0x2800, s23;
	[sflag:s26] =	ssyncadd.s32 $0xFFFFF600  }
0x35: {  	s22 =	sxor.u32 @!p1 $0x1, s22;
	_ =	swait.ge [sflag:s26], $0xA00;
	s24 =	smin.u32 @!p1 s24, $0x28E10  }
0x36: {  	s22 =	smul.u32 @!p1 $0xA00, s22;
	[sflag:s26] =	ssyncset.done $0x0;
	s24 =	sshrl.u32 @!p1 s24, $0x3  }
0x37: {  	s29 =	simm.s32 @!p1 $0x0;
	[sflag:s26] =	ssyncadd.s32 $0xFFFFF600;
	s25 =	sadd.s32 @!p1 s4, s24  }
0x38: {  	[tilespmem:s22], [sflag:$0x1] =	stream.linear.gather @!p1 [hbm4b:s25+s29], $0xA00, $0x38;
	[tilespmem:$0x1FCC0] =	vst v63  }
0x39: {  	s23 =	sshrl.u32 s23, $0x2;
	s24 =	sadd.s32 @!p1 s2, s24;
	s22 =	sadd.s32 @!p1 $0x1400, s22  }
0x3a: {  	[tilespmem:s22], [sflag:$0x1] =	stream.linear.gather @!p1 [hbm4b:s24+s29], $0xA00, $0x38;
	[tilespmem:$0x1FCC0] =	vst v63  }
0x3b: {  	v2 =	vld [tilespmem:s23+$0x0];
	_ =	sdelay $0x4  }
0x3c: {  	v3 =	vand.u32 $0x3FFF, v2  }
0x3d: {  	s25 =	sadd.s32 $0x1400, s23;
	v1 =	vadd.s32 $0x2710, v3  }
0x3e: {  	v6 =	vld [tilespmem:s25+$0x0];
	v5 =	vand.u32 $0x7, v2;
	v4 =	vadd.s32 $0x4E20, v3;
	v7 =	vand.u32 $0x7FF8, v1  }
0x3f: {  	v8 =	vadd.s32 $0x7530, v3;
	v4 =	vand.u32 $0xFFF8, v4;
	v9 =	vor.u32 v5, v7  }
0x40: {  	p2 =	por $0x1, $0x1;
	s29 =	sadd.s32 $0x10, s23;
	s23 =	simm.f32 $0.0e+00;
	v7 =	vadd.s32 $0x9C40, v3;
	v10 =	vor.u32 v5, v4;
	v4 =	vand.u32 $0xFFF8, v8  }
0x41: {  	s23 =	simm.s32 @!p2 $0x3F800000;
	v1 =	vld [tilespmem:s29+$0x0];
	v8 =	vor.u32 v5, v4;
	v4 =	vand.u32 $0xFFF8, v7;
	v7 =	vadd.s32 $0xC350, v3  }
0x42: {  	s23 =	simm.s32 @!p1 $0x3F800000;
	v11 =	vor.u32 v5, v4;
	v12 =	vand.u32 $0x1FFF8, v7  }
0x43: {  	v7 =	vshrl.u32 v2, $0xE;
	v4 =	vmul.f32 s23, v6;
	v17 =	vld.idx.msk [tilespmem:v3+s18+$0x0], $0xffff;
	v6 =	vor.u32 v5, v12  }
0x44: {  	v5 =	vand.u32 $0x7, v7;
	v13 =	vadd.s32 $0x2710, v7;
	v14 =	vadd.s32 $0x4E20, v7;
	v12 =	vld.idx.msk [tilespmem:v9+s18+$0x0], $0xffff  }
0x45: {  	v19 =	vadd.s32 $0x7530, v7;
	v20 =	vadd.s32 $0x9C40, v7;
	v18 =	vadd.s32 $0xC350, v7;
	v10 =	vld.idx.msk [tilespmem:v10+s18+$0x0], $0xffff  }
0x46: {  	v2 =	vand.u32 $0x3FFF, v1;
	v3 =	vand.u32 $0x7, v1;
	v9 =	vld.idx.msk [tilespmem:v8+s18+$0x0], $0xffff;
	v8 =	vand.u32 $0x7FFF8, v13  }
0x47: {  	v15 =	vand.u32 $0x7FFF8, v14;
	v21 =	vand.u32 $0x7FFF8, v19;
	v11 =	vld.idx.msk [tilespmem:v11+s18+$0x0], $0xffff;
	v13 =	vor.u32 v5, v8  }
0x48: {  	s23 =	sadd.s32 $0x10, s25;
	v20 =	vand.u32 $0x7FFF8, v20;
	v16 =	vadd.s32 $0x2710, v2;
	v15 =	vor.u32 v5, v15;
	v8 =	vld.idx.msk [tilespmem:v6+s18+$0x0], $0xffff  }
0x49: {  	s22 =	simm.s32 $0x1;
	s24 =	sadd.s32 $0x10, s29;
	s25 =	simm.s32 $0x2;
	v14 =	vadd.s32 $0x4E20, v2;
	v19 =	vmul.f32 v4, v17;
	v17 =	vor.u32 v5, v21;
	v6 =	vld [tilespmem:s23+$0x0]  }
.LBB2_6:
0x4a: {  	v21 =	vld [tilespmem:s24+$0x0];
	p2 =	seq.s32 s25, $0x9F;
	v12 =	vmul.f32 v12, v4;
	v20 =	vor.u32 v5, v20;
	v18 =	vand.u32 $0x7FFF8, v18  }
0x4b: {  	v22 =	vadd.s32 $0x7530, v2;
	v10 =	vmul.f32 v10, v4;
	[tilespmem:v7+s28+$0x0] =	vst.idx.add.f32.msk $0xffff, v19;
	v5 =	vor.u32 v5, v18  }
0x4c: {  	v7 =	vand.u32 $0x7FF8, v16;
	v16 =	vadd.s32 $0x9C40, v2;
	v9 =	vmul.f32 v9, v4;
	[tilespmem:v13+s28+$0x0] =	vst.idx.add.f32.msk $0xffff, v12  }
0x4d: {  	v12 =	vor.u32 v3, v7;
	v7 =	vand.u32 $0xFFF8, v14;
	v11 =	vmul.f32 v11, v4;
	[tilespmem:v15+s28+$0x0] =	vst.idx.add.f32.msk $0xffff, v10  }
0x4e: {  	p3 =	slt.u32 s22, $0x5F;
	s22 =	smov.u32 s25;
	s29 =	simm.f32 $0.0e+00;
	v10 =	vor.u32 v3, v7;
	v7 =	vand.u32 $0xFFF8, v22;
	v4 =	vmul.f32 v8, v4;
	[tilespmem:v17+s28+$0x0] =	vst.idx.add.f32.msk $0xffff, v9  }
0x4f: {  	s29 =	simm.s32 @!p3 $0x3F800000;
	v8 =	vor.u32 v3, v7;
	v7 =	vand.u32 $0xFFF8, v16;
	v9 =	vadd.s32 $0xC350, v2;
	[tilespmem:v20+s28+$0x0] =	vst.idx.add.f32.msk $0xffff, v11  }
0x50: {  	s29 =	simm.s32 @!p1 $0x3F800000;
	v11 =	vor.u32 v3, v7;
	v9 =	vand.u32 $0x1FFF8, v9;
	[tilespmem:v5+s28+$0x0] =	vst.idx.add.f32.msk $0xffff, v4  }
0x51: {  	v7 =	vshrl.u32 v1, $0xE;
	v1 =	vmovc v21;
	v4 =	vmul.f32 s29, v6;
	v6 =	vor.u32 v3, v9;
	v17 =	vld.idx.msk [tilespmem:v2+s18+$0x0], $0xffff  }
0x52: {  	v3 =	vand.u32 $0x7, v1;
	v5 =	vand.u32 $0x7, v7;
	v2 =	vand.u32 $0x3FFF, v1;
	v12 =	vld.idx.msk [tilespmem:v12+s18+$0x0], $0xffff  }
.Ltmp1:
0x53: {  	v13 =	vadd.s32 $0x2710, v7;
	v14 =	vadd.s32 $0x4E20, v7;
	v19 =	vadd.s32 $0x7530, v7;
	v10 =	vld.idx.msk [tilespmem:v10+s18+$0x0], $0xffff;
	(pc) =	sbr.rel @!p2 .LBB2_6-.Ltmp1, $4  }
0x54: {  	v20 =	vadd.s32 $0x9C40, v7;
	v18 =	vadd.s32 $0xC350, v7;
	v9 =	vld.idx.msk [tilespmem:v8+s18+$0x0], $0xffff;
	v8 =	vand.u32 $0x7FFF8, v13  }
0x55: {  	v15 =	vand.u32 $0x7FFF8, v14;
	v16 =	vadd.s32 $0x2710, v2;
	v11 =	vld.idx.msk [tilespmem:v11+s18+$0x0], $0xffff;
	v13 =	vor.u32 v5, v8  }
0x56: {  	s23 =	sadd.s32 $0x10, s23;
	v21 =	vand.u32 $0x7FFF8, v19;
	v14 =	vadd.s32 $0x4E20, v2;
	v15 =	vor.u32 v5, v15;
	v8 =	vld.idx.msk [tilespmem:v6+s18+$0x0], $0xffff  }
0x57: {  	s24 =	sadd.s32 $0x10, s24;
	s25 =	sadd.s32 $0x1, s25;
	v20 =	vand.u32 $0x7FFF8, v20;
	v19 =	vmul.f32 v4, v17;
	v17 =	vor.u32 v5, v21;
	v6 =	vld [tilespmem:s23+$0x0]  }
0x58: {  	_ =	sdelay $0x1  }
0x59: {  	v12 =	vmul.f32 v12, v4  }
0x5a: {  	v20 =	vor.u32 v5, v20;
	v18 =	vand.u32 $0x7FFF8, v18;
	v21 =	vadd.s32 $0x7530, v2  }
0x5b: {  	v42 =	vand.u32 $0x7FF8, v16;
	v43 =	vadd.s32 $0x9C40, v2;
	v49 =	vadd.s32 $0xC350, v2;
	v2 =	vld.idx.msk [tilespmem:v2+s18+$0x0], $0xffff  }
0x5c: {  	v10 =	vmul.f32 v10, v4;
	v44 =	vand.u32 $0xFFF8, v14;
	[tilespmem:v7+s28+$0x0] =	vst.idx.add.f32.msk $0xffff, v19;
	v7 =	vor.u32 v3, v42  }
0x5d: {  	v9 =	vmul.f32 v9, v4;
	v45 =	vor.u32 v3, v44;
	v46 =	vand.u32 $0xFFF8, v21;
	[tilespmem:v13+s28+$0x0] =	vst.idx.add.f32.msk $0xffff, v12  }
0x5e: {  	v48 =	vand.u32 $0xFFF8, v43;
	v11 =	vmul.f32 v11, v4;
	v47 =	vor.u32 v3, v46;
	[tilespmem:v15+s28+$0x0] =	vst.idx.add.f32.msk $0xffff, v10  }
0x5f: {  	v1 =	vshrl.u32 v1, $0xE;
	v52 =	vand.u32 $0x1FFF8, v49;
	v51 =	vor.u32 v3, v48;
	[tilespmem:v17+s28+$0x0] =	vst.idx.add.f32.msk $0xffff, v9  }
0x60: {  	p2 =	slt.u32 s22, $0x5F;
	s22 =	simm.f32 $0.0e+00;
	v50 =	vor.u32 v5, v18;
	v54 =	vand.u32 $0x7, v1;
	v3 =	vor.u32 v3, v52;
	[tilespmem:v20+s28+$0x0] =	vst.idx.add.f32.msk $0xffff, v11  }
0x61: {  	s22 =	simm.s32 @!p2 $0x3F800000;
	v55 =	vadd.s32 $0x2710, v1;
	v56 =	vadd.s32 $0x4E20, v1;
	v57 =	vadd.s32 $0x7530, v1;
	v7 =	vld.idx.msk [tilespmem:v7+s18+$0x0], $0xffff  }
0x62: {  	v58 =	vadd.s32 $0x9C40, v1;
	v59 =	vadd.s32 $0xC350, v1;
	s22 =	simm.s32 @!p1 $0x3F800000;
	v12 =	vand.u32 $0x7FFF8, v55;
	v10 =	vld.idx.msk [tilespmem:v45+s18+$0x0], $0xffff  }
0x63: {  	v13 =	vand.u32 $0x7FFF8, v56;
	v12 =	vor.u32 v54, v12;
	v6 =	vmul.f32 s22, v6;
	v9 =	vld.idx.msk [tilespmem:v47+s18+$0x0], $0xffff  }
0x64: {  	v14 =	vand.u32 $0x7FFF8, v57;
	v53 =	vmul.f32 v8, v4;
	v13 =	vor.u32 v54, v13;
	v11 =	vld.idx.msk [tilespmem:v51+s18+$0x0], $0xffff  }
0x65: {  	v14 =	vor.u32 v54, v14;
	v15 =	vand.u32 $0x7FFF8, v58;
	v2 =	vmul.f32 v6, v2;
	v3 =	vld.idx.msk [tilespmem:v3+s18+$0x0], $0xffff  }
0x66: {  	v62 =	vand.u32 $0x7FFF8, v59;
	v61 =	vor.u32 v54, v15;
	[tilespmem:v50+s28+$0x0] =	vst.idx.add.f32.msk $0xffff, v53;
	v60 =	vmul.f32 v7, v6  }
0x67: {  	[tilespmem:v1+s28+$0x0] =	vst.idx.add.f32.msk $0xffff, v2;
	v1 =	vor.u32 v54, v62;
	v10 =	vmul.f32 v10, v6  }
0x68: {  	v2 =	vmul.f32 v9, v6;
	[tilespmem:v12+s28+$0x0] =	vst.idx.add.f32.msk $0xffff, v60  }
0x69: {  	v63 =	vmul.f32 v11, v6;
	[tilespmem:v13+s28+$0x0] =	vst.idx.add.f32.msk $0xffff, v10  }
0x6a: {  	v3 =	vmul.f32 v3, v6;
	[tilespmem:v14+s28+$0x0] =	vst.idx.add.f32.msk $0xffff, v2  }
0x6b: {  	[tilespmem:v61+s28+$0x0] =	vst.idx.add.f32.msk $0xffff, v63  }
0x6c: {  	[tilespmem:v1+s28+$0x0] =	vst.idx.add.f32.msk $0xffff, v3  }
0x6d: {  	p1 =	seq.s32 s21, $0x43  }
.Ltmp2:
0x6e: {  	_ = 	snop;
	(pc) =	sbr.rel @!p1 .LBB2_5-.Ltmp2, $2  }
0x6f: {  	_ =	sdelay $0x2  }
0x70: {  	p0 =	por !p0, !p0  }
0x71: {  	[hbm4b:s11+s3] =	stream.linear.scatter [tilespmem:s28], [sflag:$0x2], $0x2710, $0x38;
	[tilespmem:$0x1FCC0] =	vst v63  }
0x72: {  	_ =	swait.ge [sflag:s19], $0x2710  }
0x73: {  	[sflag:s19] =	ssyncset.done $0x0  }
0x74: {  	s21 =	simm.s32 $0x13970;
	[sflag:s19] =	ssyncadd.s32 $0xFFFFD8F0  }
0x75: {  	[hbm4b:s12+s3] =	stream.linear.scatter [tilespmem:s21], [sflag:$0x2], $0x2710, $0x38;
	[tilespmem:$0x1FCC0] =	vst v63  }
0x76: {  	_ =	swait.ge [sflag:s19], $0x2710  }
0x77: {  	[sflag:s19] =	ssyncset.done $0x0  }
0x78: {  	[sflag:s19] =	ssyncadd.s32 $0xFFFFD8F0  }
0x79: {  	[hbm4b:s13+s3] =	stream.linear.scatter [tilespmem:s30], [sflag:$0x2], $0x2710, $0x38;
	[tilespmem:$0x1FCC0] =	vst v63  }
0x7a: {  	_ =	swait.ge [sflag:s19], $0x2710  }
0x7b: {  	[sflag:s19] =	ssyncset.done $0x0  }
0x7c: {  	[sflag:s19] =	ssyncadd.s32 $0xFFFFD8F0  }
0x7d: {  	[hbm4b:s14+s3] =	stream.linear.scatter [tilespmem:s31], [sflag:$0x2], $0x2710, $0x38;
	[tilespmem:$0x1FCC0] =	vst v63  }
0x7e: {  	_ =	swait.ge [sflag:s19], $0x2710  }
0x7f: {  	[sflag:s19] =	ssyncset.done $0x0  }
0x80: {  	[sflag:s19] =	ssyncadd.s32 $0xFFFFD8F0  }
0x81: {  	[hbm4b:s15+s3] =	stream.linear.scatter [tilespmem:s0], [sflag:$0x2], $0x2710, $0x38;
	[tilespmem:$0x1FCC0] =	vst v63  }
0x82: {  	s20 =	sadd.s32 $0x1, s20;
	_ =	swait.ge [sflag:s19], $0x2710  }
0x83: {  	p0 =	sne.s32 s20, s17;
	[sflag:s19] =	ssyncset.done $0x0  }
.Ltmp3:
0x84: {  	[sflag:s19] =	ssyncadd.s32 $0xFFFFD8F0;
	(pc) =	sbr.rel @p0 .LBB2_1-.Ltmp3, $4  }
0x85: {  	[hbm4b:s16+s3] =	stream.linear.scatter [tilespmem:s1], [sflag:$0x2], $0x2710, $0x38;
	[tilespmem:$0x1FCC0] =	vst v63  }
0x86: {  	_ =	swait.ge [sflag:s19], $0x2710  }
0x87: {  	[sflag:s19] =	ssyncset.done $0x0  }
0x88: {  	[sflag:s19] =	ssyncadd.s32 $0xFFFFD8F0  }
0x89: {  	_ =	sfence.sel $0x180000  }
0x8a: {  	[bflag:$0x0] =	sbarrier.arrive $0xFFFF  }
0x8b: {  	_ =	strace $0x9000004A  }
0x8c: {  	s0 =	stileid.u32;
	[bflag:$0x2] =	sbarrier.arrive $0xFFFF  }
0x8d: {  	p0 =	sne.s32 s0, $0x0;
	s0 =	rddreg [dreg:$0x3]  }
0x8e: {  	s0 =	sadd.s32 @!p0 $0x100000, s0  }
0x8f: {  	[sflag:s0] =	ssyncadd.tile.s32 @!p0 $0x1;
	_ =	shalt  }
.Lfunc_end2:
_tile_overlayer_lowered:
.L_overlay_start_2:
0x90: {  	(tag) =	ssettag $0x2  }
0x91: {  	s0 =	rddreg [dreg:$0x0];
	s2 =	stileid.u32  }
0x92: {  	s1 =	rddreg [dreg:$0x1];
	p0 =	sne.s32 s2, $0x0  }
0x93: {  	s3 =	rddreg [dreg:$0x2];
	[bflag:$0x3] =	sbarrier.arrive $0xFFFF;
	s2 =	simm.s32 @!p0 $0x1C02  }
0x94: {  	[timem:s3], [sflag:s2] =	dma.local @!p0 [hbm:s0], s1  }
0x95: {  	s0 =	simm.s32 @!p0 $0x2  }
0x96: {  	_ =	swait.ge @!p0 [sflag:s0], s1  }
0x97: {  	s1 =	ssub.s32 @!p0 $0x0, s1;
	[sflag:s0] =	ssyncset.done @!p0 $0x0  }
0x98: {  	[sflag:s0] =	ssyncadd.s32 @!p0 s1  }
0x99: {  	[bflag:$0x3] =	sbarrier.arrive $0xFFFF  }
0x9a: {  	_ =	shalt  }

</sc_bundles>
